<compile_context>
chip_gen: v7x
topology: tpu7x:2x2x1
jax: 0.10.2.dev20260603
libtpu: 0.0.44.dev20260713+nightly
codegen_flags: <defaults>
</compile_context>

<pallas_src>
import functools

import jax
import jax.numpy as jnp
from jax import lax
from jax.experimental import pallas as pl
from jax.experimental.pallas import tpu as pltpu
from jax.experimental.pallas import tpu_sc as plsc

N = 10000
E = 160000
D = 256
NP = D // 2
NC = 2
NS = 16
NW = NC * NS
PW = NP // NW
ECH = 4000
NCH = E // ECH
DEG_EPT = E // NS
SCAT = 25

_mesh = plsc.VectorSubcoreMesh(core_axis_name="c", subcore_axis_name="s")
_sc_params = pltpu.CompilerParams(
    use_tc_tiling_on_sc=False, needs_layout_passes=False
)


def _tc_body(logits_ref, labels_ref, x_ref, ce_ref, xpt_ref):
    lg = logits_ref[...]
    m = jnp.max(lg)
    lse = jnp.log(jnp.sum(jnp.exp(lg - m))) + m
    lab = labels_ref[0]
    col = lax.broadcasted_iota(jnp.int32, lg.shape, 1)
    val = jnp.sum(jnp.where(col == lab, lg, 0.0))
    ce_ref[0] = lse - val

    xt = x_ref[...].T
    lo = lax.convert_element_type(xt[0:NP, :], jnp.bfloat16)
    hi = lax.convert_element_type(xt[NP:D, :], jnp.bfloat16)
    plo = lax.bitcast_convert_type(lo, jnp.uint16).astype(jnp.uint32)
    phi = lax.bitcast_convert_type(hi, jnp.uint16).astype(jnp.uint32)
    packed = jnp.bitwise_or(plo, lax.shift_left(phi, jnp.uint32(16)))
    xpt_ref[...] = lax.bitcast_convert_type(packed, jnp.int32)


def _tc_call(logits, labels, x):
    return pl.pallas_call(
        _tc_body,
        out_shape=[
            jax.ShapeDtypeStruct((1,), jnp.float32),
            jax.ShapeDtypeStruct((NP, N), jnp.int32),
        ],
        in_specs=[
            pl.BlockSpec(memory_space=pltpu.VMEM),
            pl.BlockSpec(memory_space=pltpu.SMEM),
            pl.BlockSpec(memory_space=pltpu.VMEM),
        ],
        out_specs=[
            pl.BlockSpec(memory_space=pltpu.SMEM),
            pl.BlockSpec(memory_space=pltpu.VMEM),
        ],
    )(logits, labels, x)


@functools.partial(
    pl.kernel,
    out_type=jax.ShapeDtypeStruct((NW * 16,), jnp.float32),
    mesh=_mesh,
    scratch_types=[
        pltpu.VMEM((PW * N,), jnp.int32),
        pltpu.VMEM((N,), jnp.float32),
        pltpu.VMEM((DEG_EPT,), jnp.int32),
        pltpu.VMEM((ECH,), jnp.int32),
        pltpu.VMEM((ECH,), jnp.int32),
        pltpu.VMEM((ECH,), jnp.int32),
        pltpu.VMEM((ECH,), jnp.int32),
        pltpu.VMEM((16,), jnp.float32),
        pltpu.VMEM((16,), jnp.float32),
        pltpu.VMEM_SHARED((N,), jnp.float32),
        pltpu.SemaphoreType.DMA,
        pltpu.SemaphoreType.DMA,
        pltpu.SemaphoreType.DMA,
    ],
    compiler_params=_sc_params,
)
def _main_kernel(xpt_hbm, edge_hbm, out_hbm,
                 xp_v, dis_v, er_v, row0_v, col0_v, row1_v, col1_v,
                 ones_v, acc_v, deg_sh, sem_s, sem0, sem1):
    cid = lax.axis_index("c")
    sid = lax.axis_index("s")
    t = cid * NS + sid
    ones_v[...] = jnp.ones((16,), jnp.float32)

    xp_copy = pltpu.async_copy(
        xpt_hbm.at[pl.ds(t * (PW * N), PW * N)], xp_v, sem1
    )

    @pl.when(sid == 0)
    def _zero():
        def zb(i, carry):
            dis_v[pl.ds(i * 16, 16)] = jnp.zeros((16,), jnp.float32)
            return carry
        lax.fori_loop(0, N // 16, zb, 0)
        pltpu.sync_copy(dis_v, deg_sh)

    pltpu.sync_copy(edge_hbm.at[pl.ds(sid * DEG_EPT, DEG_EPT)], er_v)
    plsc.subcore_barrier()

    def sbatch(i, carry):
        for u in range(SCAT):
            r = er_v[pl.ds((i * SCAT + u) * 16, 16)]
            pltpu.async_copy(ones_v, deg_sh.at[r], sem_s, add=True)
        pltpu.make_async_copy(
            edge_hbm.at[pl.ds(0, SCAT * 16)],
            er_v.at[pl.ds(0, SCAT * 16)],
            sem_s,
        ).wait()
        return carry
    lax.fori_loop(0, (DEG_EPT // 16) // SCAT, sbatch, 0)
    plsc.subcore_barrier()

    pltpu.sync_copy(deg_sh, dis_v)

    def nb(i, carry):
        d = dis_v[pl.ds(i * 16, 16)]
        bi = plsc.bitcast(d, jnp.int32)
        y = plsc.bitcast(
            jnp.full((16,), 0x5F3759DF, jnp.int32)
            - lax.shift_right_logical(bi, 1),
            jnp.float32,
        )
        hd = d * 0.5
        for _ in range(3):
            y = y * (1.5 - hd * y * y)
        dis_v[pl.ds(i * 16, 16)] = jnp.where(d > 0.0, y, 0.0)
        return carry
    lax.fori_loop(0, N // 16, nb, 0)

    xp_copy.wait()

    pltpu.async_copy(edge_hbm.at[pl.ds(0, ECH)], row0_v, sem0)
    pltpu.async_copy(edge_hbm.at[pl.ds(E, ECH)], col0_v, sem0)
    bufs = ((row0_v, col0_v, sem0), (row1_v, col1_v, sem1))

    def outer(j, accs):
        acc_pair = list(accs)
        for b in range(2):
            rb, cb, sem = bufs[b]
            nrb, ncb, nsem = bufs[1 - b]
            k = j * 2 + b
            pltpu.make_async_copy(edge_hbm.at[pl.ds(0, ECH)], rb, sem).wait()
            pltpu.make_async_copy(edge_hbm.at[pl.ds(0, ECH)], cb, sem).wait()

            @pl.when(k + 1 < NCH)
            def _prefetch():
                off = (k + 1) * ECH
                pltpu.async_copy(edge_hbm.at[pl.ds(off, ECH)], nrb, nsem)
                pltpu.async_copy(edge_hbm.at[pl.ds(E + off, ECH)], ncb, nsem)

            @plsc.parallel_loop(0, ECH // 16, unroll=2, carry=acc_pair[b])
            def inner(i, acc):
                r = rb[pl.ds(i * 16, 16)]
                c = cb[pl.ds(i * 16, 16)]
                w = plsc.load_gather(dis_v, [r]) * plsc.load_gather(dis_v, [c])
                sacc = None
                for kp in range(PW):
                    wr = plsc.load_gather(xp_v, [r + (kp * N)])
                    wc = plsc.load_gather(xp_v, [c + (kp * N)])
                    dd = (plsc.bitcast(wr, jnp.bfloat16)
                          - plsc.bitcast(wc, jnp.bfloat16))
                    s = dd * dd
                    sacc = s if sacc is None else sacc + s
                uh, ul = plsc.unpack(sacc, format=plsc.PackFormat.INTERLEAVED)
                return acc + w * (uh + ul)

            acc_pair[b] = inner
        return tuple(acc_pair)

    z16 = jnp.zeros((16,), jnp.float32)
    acc0, acc1 = lax.fori_loop(0, NCH // 2, outer, (z16, z16))
    acc_v[...] = acc0 + acc1
    pltpu.sync_copy(acc_v, out_hbm.at[pl.ds(t * 16, 16)])


def kernel(logits, labels, x, edge_index, batch):
    edge_flat = jnp.reshape(edge_index, (2 * E,))
    ce, xpt = _tc_call(logits, labels, x)
    parts = _main_kernel(jnp.reshape(xpt, (NP * N,)), edge_flat)
    return ce[0] + jnp.sum(parts)

# --- scband reference (transcript-rebuilt; emitter-appended) ---
"""Pipeline reference for scband-gcodloss-24223615550153 (READ-ONLY COPY).

The authoritative reference and input builder live on the scoring server;
editing this copy changes nothing except your own understanding.
"""

import jax, jax.numpy as jnp
import numpy as np


def setup_inputs(seed: int = 0) -> dict:
    key = jax.random.key(seed)
    k1, k2, k3, k4 = jax.random.split(key, 4)
    logits = jax.random.normal(k1, (1, 1000), dtype=jnp.float32)
    labels = jax.random.randint(k2, (1,), 0, 1000, dtype=jnp.int32)
    x = jax.random.normal(k3, (10000, 256), dtype=jnp.float32)
    edge_index = jax.random.randint(k4, (2, 160000), 0, 10000, dtype=jnp.int32)
    batch = jnp.zeros((10000,), dtype=jnp.int32)
    return {"logits": logits, "labels": labels, "x": x, "edge_index": edge_index, "batch": batch}


def reference(logits, labels, x, edge_index, batch):
    lambda_smoothness = 1.0
    # cross_entropy (mean reduction)
    log_probs = jax.nn.log_softmax(logits, axis=-1)
    nll = -jnp.take_along_axis(log_probs, labels[:, None].astype(jnp.int32), axis=1)[:, 0]
    ce_loss = jnp.mean(nll)
    # Dirichlet energy, per-graph loop (fixed-shape masked form)
    num_graphs = 1
    row_all, col_all = edge_index[0], edge_index[1]
    dirichlet = jnp.asarray(0.0, dtype=x.dtype)
    for i in range(num_graphs):
        mask = batch == i
        edge_mask = mask[row_all] & mask[col_all]
        em = edge_mask.astype(x.dtype)
        deg = jnp.zeros((x.shape[0],), dtype=x.dtype).at[row_all].add(em)
        deg_inv_sqrt = jnp.power(deg, -0.5)
        deg_inv_sqrt = jnp.where(jnp.isinf(deg_inv_sqrt), 0.0, deg_inv_sqrt)
        norm = deg_inv_sqrt[row_all] * deg_inv_sqrt[col_all]
        Lx = x[row_all] - x[col_all]
        energy = jnp.sum(em[:, None] * (norm[:, None] * Lx ** 2))
        dirichlet = dirichlet + energy
    smoothness_loss = dirichlet / (jnp.max(batch).astype(x.dtype) + 1.0)
    return ce_loss + lambda_smoothness * smoothness_loss

if __name__ == "__main__":
    import jax
    _d = setup_inputs()
    print(jax.jit(kernel)(*tuple(_d.values())))

</pallas_src>

<mosaic_0001>
#map = affine_map<(d0, d1) -> (0)>
module attributes {stable_mosaic.version = 14 : i64} {
  func.func @_main_kernel(%arg0: i32, %arg1: i32, %arg2: memref<1280000xi32, #tpu.memory_space<hbm>>, %arg3: memref<320000xi32, #tpu.memory_space<hbm>>, %arg4: memref<512xf32, #tpu.memory_space<hbm>>, %arg5: memref<40000xi32, #tpu.memory_space<vmem>>, %arg6: memref<10000xf32, #tpu.memory_space<vmem>>, %arg7: memref<10000xi32, #tpu.memory_space<vmem>>, %arg8: memref<4000xi32, #tpu.memory_space<vmem>>, %arg9: memref<4000xi32, #tpu.memory_space<vmem>>, %arg10: memref<4000xi32, #tpu.memory_space<vmem>>, %arg11: memref<4000xi32, #tpu.memory_space<vmem>>, %arg12: memref<16xf32, #tpu.memory_space<vmem>>, %arg13: memref<16xf32, #tpu.memory_space<vmem>>, %arg14: memref<10000xf32, #tpu.memory_space<vmem_shared>>, %arg15: memref<!tpu.dma_semaphore, #tpu.memory_space<semaphore_mem>>, %arg16: memref<!tpu.dma_semaphore, #tpu.memory_space<semaphore_mem>>, %arg17: memref<!tpu.dma_semaphore, #tpu.memory_space<semaphore_mem>>) attributes {dimension_semantics = [#tpu.dimension_semantics<core_parallel>, #tpu.dimension_semantics<subcore_parallel>], iteration_bounds = array<i64: 2, 16>, scalar_prefetch = 0 : i64, scratch_operands = 13 : i64, tpu.core_type = #tpu.core_type<sc_vector_subcore>, window_params = [{transform_indices = #map}, {transform_indices = #map}, {transform_indices = #map}]} {
    %mul3A = arith.constant 16 : i32
    %mul3A_0 = arith.muli %arg0, %mul3A : i32
    %add3A = arith.addi %mul3A_0, %arg1 : i32
    %broadcast_in_dim3A = arith.constant 1.000000e+00 : f32
    %broadcast_in_dim3A_1 = vector.broadcast %broadcast_in_dim3A : f32 to vector<16xf32>
    %swap3A = arith.constant 0 : index
    %swap3A_2 = tpu.vector_load %arg12[%swap3A] {strides = array<i32>} : memref<16xf32, #tpu.memory_space<vmem>>, vector<16xf32>,
    tpu.vector_store %arg12[%swap3A], %broadcast_in_dim3A_1 {strides = array<i32>} : memref<16xf32, #tpu.memory_space<vmem>>, vector<16xf32>,
    %mul3A_3 = arith.constant 40000 : i32
    %mul3A_4 = arith.muli %add3A, %mul3A_3 : i32
    %dma_start3A = tpu.memref_slice %arg2[%mul3A_4] : memref<1280000xi32, #tpu.memory_space<hbm>> -> memref<40000xi32, #tpu.memory_space<hbm>>
    %dma_start3A_5 = tpu.memref_slice %arg2[%mul3A_4] : memref<1280000xi32, #tpu.memory_space<hbm>> -> memref<40000xi32, #tpu.memory_space<hbm>>
    tpu.enqueue_dma source(%dma_start3A_5 : memref<40000xi32, #tpu.memory_space<hbm>>) target(%arg5 : memref<40000xi32, #tpu.memory_space<vmem>>) target_semaphore(%arg17 : memref<!tpu.dma_semaphore, #tpu.memory_space<semaphore_mem>>)
    %eq3A = arith.constant 0 : i32
    %eq3A_6 = arith.cmpi eq, %arg1, %eq3A : i32
    %convert_element_type3A = arith.extui %eq3A_6 : i1 to i32
    %cond3A = arith.constant 0 : i32
    %cond3A_7 = arith.cmpi ne, %convert_element_type3A, %cond3A : i32
    scf.if %cond3A_7 {
      %scan3A_44 = arith.constant 0 : i32
      %scan3A_45 = arith.constant 0 : i32
      %scan3A_46 = arith.constant 625 : i32
      %scan3A_47 = arith.addi %scan3A_45, %scan3A_46 : i32
      %scan3A_48 = arith.constant 1 : i32
      scf.for %scan3A_50 = %scan3A_45 to %scan3A_47 step %scan3A_48  : i32 {
        %broadcast_in_dim3A_51 = arith.constant 0.000000e+00 : f32
        %broadcast_in_dim3A_52 = vector.broadcast %broadcast_in_dim3A_51 : f32 to vector<16xf32>
        %mul3A_53 = arith.constant 16 : i32
        %mul3A_54 = arith.muli %scan3A_50, %mul3A_53 : i32
        %swap3A_55 = arith.index_cast %mul3A_54 : i32 to index
        %swap3A_56 = tpu.vector_load %arg6[%swap3A_55] {strides = array<i32>} : memref<10000xf32, #tpu.memory_space<vmem>>, vector<16xf32>,
        tpu.vector_store %arg6[%swap3A_55], %broadcast_in_dim3A_52 {strides = array<i32>} : memref<10000xf32, #tpu.memory_space<vmem>>, vector<16xf32>,
      }
      %scan3A_49 = arith.constant 625 : i32
      "tpu.region"() ({
        %run_scoped3A = tpu.sem_alloc : memref<!tpu.dma_semaphore, #tpu.memory_space<semaphore_mem>>
        tpu.enqueue_dma source(%arg6 : memref<10000xf32, #tpu.memory_space<vmem>>) target(%arg14 : memref<10000xf32, #tpu.memory_space<vmem_shared>>) target_semaphore(%run_scoped3A : memref<!tpu.dma_semaphore, #tpu.memory_space<semaphore_mem>>)
        tpu.wait_dma2 semaphore(%run_scoped3A : memref<!tpu.dma_semaphore, #tpu.memory_space<semaphore_mem>>) src(%arg6 : memref<10000xf32, #tpu.memory_space<vmem>>) dst(%arg14 : memref<10000xf32, #tpu.memory_space<vmem_shared>>)
        tpu.yield
      }) : () -> ()
    } else {
    }
    %mul3A_8 = arith.constant 10000 : i32
    %mul3A_9 = arith.muli %arg1, %mul3A_8 : i32
    "tpu.region"() ({
      %run_scoped3A = tpu.sem_alloc : memref<!tpu.dma_semaphore, #tpu.memory_space<semaphore_mem>>
      %dma_start3A_44 = tpu.memref_slice %arg3[%mul3A_9] : memref<320000xi32, #tpu.memory_space<hbm>> -> memref<10000xi32, #tpu.memory_space<hbm>>
      %dma_start3A_45 = tpu.memref_slice %arg3[%mul3A_9] : memref<320000xi32, #tpu.memory_space<hbm>> -> memref<10000xi32, #tpu.memory_space<hbm>>
      tpu.enqueue_dma source(%dma_start3A_45 : memref<10000xi32, #tpu.memory_space<hbm>>) target(%arg7 : memref<10000xi32, #tpu.memory_space<vmem>>) target_semaphore(%run_scoped3A : memref<!tpu.dma_semaphore, #tpu.memory_space<semaphore_mem>>)
      %dma_wait3A_46 = tpu.memref_slice %arg3[%mul3A_9] : memref<320000xi32, #tpu.memory_space<hbm>> -> memref<10000xi32, #tpu.memory_space<hbm>>
      %dma_wait3A_47 = tpu.memref_slice %arg3[%mul3A_9] : memref<320000xi32, #tpu.memory_space<hbm>> -> memref<10000xi32, #tpu.memory_space<hbm>>
      tpu.wait_dma2 semaphore(%run_scoped3A : memref<!tpu.dma_semaphore, #tpu.memory_space<semaphore_mem>>) src(%dma_wait3A_47 : memref<10000xi32, #tpu.memory_space<hbm>>) dst(%arg7 : memref<10000xi32, #tpu.memory_space<vmem>>)
      tpu.yield
    }) : () -> ()
    %barrier3A = arith.constant 0 : index
    tpu.barrier barrier_id(%barrier3A)
    %scan3A = arith.constant 0 : i32
    %scan3A_10 = arith.constant 0 : i32
    %scan3A_11 = arith.constant 25 : i32
    %scan3A_12 = arith.addi %scan3A_10, %scan3A_11 : i32
    %scan3A_13 = arith.constant 1 : i32
    scf.for %scan3A_44 = %scan3A_10 to %scan3A_12 step %scan3A_13  : i32 {
      %mul3A_45 = arith.constant 25 : i32
      %mul3A_46 = arith.muli %scan3A_44, %mul3A_45 : i32
      %add3A_47 = arith.constant 0 : i32
      %add3A_48 = arith.addi %mul3A_46, %add3A_47 : i32
      %mul3A_49 = arith.constant 16 : i32
      %mul3A_50 = arith.muli %add3A_48, %mul3A_49 : i32
      %get3A = arith.index_cast %mul3A_50 : i32 to index
      %get3A_51 = tpu.vector_load %arg7[%get3A] {strides = array<i32>} : memref<10000xi32, #tpu.memory_space<vmem>>, vector<16xi32>,
      %dma_start3A_52 = arith.constant 0 : i32
      %dma_start3A_53 = tpu.memref_slice %arg14[%dma_start3A_52] : memref<10000xf32, #tpu.memory_space<vmem_shared>> -> memref<10000xf32, #tpu.memory_space<vmem_shared>>
      tpu.enqueue_indirect_dma source(%arg12 : memref<16xf32, #tpu.memory_space<vmem>>) target(%dma_start3A_53 : memref<10000xf32, #tpu.memory_space<vmem_shared>>) offsets(%get3A_51 : vector<16xi32>) semaphore(%arg15 : memref<!tpu.dma_semaphore, #tpu.memory_space<semaphore_mem>>) {add = true}
      %mul3A_54 = arith.constant 25 : i32
      %mul3A_55 = arith.muli %scan3A_44, %mul3A_54 : i32
      %add3A_56 = arith.constant 1 : i32
      %add3A_57 = arith.addi %mul3A_55, %add3A_56 : i32
      %mul3A_58 = arith.constant 16 : i32
      %mul3A_59 = arith.muli %add3A_57, %mul3A_58 : i32
      %get3A_60 = arith.index_cast %mul3A_59 : i32 to index
      %get3A_61 = tpu.vector_load %arg7[%get3A_60] {strides = array<i32>} : memref<10000xi32, #tpu.memory_space<vmem>>, vector<16xi32>,
      %dma_start3A_62 = arith.constant 0 : i32
      %dma_start3A_63 = tpu.memref_slice %arg14[%dma_start3A_62] : memref<10000xf32, #tpu.memory_space<vmem_shared>> -> memref<10000xf32, #tpu.memory_space<vmem_shared>>
      tpu.enqueue_indirect_dma source(%arg12 : memref<16xf32, #tpu.memory_space<vmem>>) target(%dma_start3A_63 : memref<10000xf32, #tpu.memory_space<vmem_shared>>) offsets(%get3A_61 : vector<16xi32>) semaphore(%arg15 : memref<!tpu.dma_semaphore, #tpu.memory_space<semaphore_mem>>) {add = true}
      %mul3A_64 = arith.constant 25 : i32
      %mul3A_65 = arith.muli %scan3A_44, %mul3A_64 : i32
      %add3A_66 = arith.constant 2 : i32
      %add3A_67 = arith.addi %mul3A_65, %add3A_66 : i32
      %mul3A_68 = arith.constant 16 : i32
      %mul3A_69 = arith.muli %add3A_67, %mul3A_68 : i32
      %get3A_70 = arith.index_cast %mul3A_69 : i32 to index
      %get3A_71 = tpu.vector_load %arg7[%get3A_70] {strides = array<i32>} : memref<10000xi32, #tpu.memory_space<vmem>>, vector<16xi32>,
      %dma_start3A_72 = arith.constant 0 : i32
      %dma_start3A_73 = tpu.memref_slice %arg14[%dma_start3A_72] : memref<10000xf32, #tpu.memory_space<vmem_shared>> -> memref<10000xf32, #tpu.memory_space<vmem_shared>>
      tpu.enqueue_indirect_dma source(%arg12 : memref<16xf32, #tpu.memory_space<vmem>>) target(%dma_start3A_73 : memref<10000xf32, #tpu.memory_space<vmem_shared>>) offsets(%get3A_71 : vector<16xi32>) semaphore(%arg15 : memref<!tpu.dma_semaphore, #tpu.memory_space<semaphore_mem>>) {add = true}
      %mul3A_74 = arith.constant 25 : i32
      %mul3A_75 = arith.muli %scan3A_44, %mul3A_74 : i32
      %add3A_76 = arith.constant 3 : i32
      %add3A_77 = arith.addi %mul3A_75, %add3A_76 : i32
      %mul3A_78 = arith.constant 16 : i32
      %mul3A_79 = arith.muli %add3A_77, %mul3A_78 : i32
      %get3A_80 = arith.index_cast %mul3A_79 : i32 to index
      %get3A_81 = tpu.vector_load %arg7[%get3A_80] {strides = array<i32>} : memref<10000xi32, #tpu.memory_space<vmem>>, vector<16xi32>,
      %dma_start3A_82 = arith.constant 0 : i32
      %dma_start3A_83 = tpu.memref_slice %arg14[%dma_start3A_82] : memref<10000xf32, #tpu.memory_space<vmem_shared>> -> memref<10000xf32, #tpu.memory_space<vmem_shared>>
      tpu.enqueue_indirect_dma source(%arg12 : memref<16xf32, #tpu.memory_space<vmem>>) target(%dma_start3A_83 : memref<10000xf32, #tpu.memory_space<vmem_shared>>) offsets(%get3A_81 : vector<16xi32>) semaphore(%arg15 : memref<!tpu.dma_semaphore, #tpu.memory_space<semaphore_mem>>) {add = true}
      %mul3A_84 = arith.constant 25 : i32
      %mul3A_85 = arith.muli %scan3A_44, %mul3A_84 : i32
      %add3A_86 = arith.constant 4 : i32
      %add3A_87 = arith.addi %mul3A_85, %add3A_86 : i32
      %mul3A_88 = arith.constant 16 : i32
      %mul3A_89 = arith.muli %add3A_87, %mul3A_88 : i32
      %get3A_90 = arith.index_cast %mul3A_89 : i32 to index
      %get3A_91 = tpu.vector_load %arg7[%get3A_90] {strides = array<i32>} : memref<10000xi32, #tpu.memory_space<vmem>>, vector<16xi32>,
      %dma_start3A_92 = arith.constant 0 : i32
      %dma_start3A_93 = tpu.memref_slice %arg14[%dma_start3A_92] : memref<10000xf32, #tpu.memory_space<vmem_shared>> -> memref<10000xf32, #tpu.memory_space<vmem_shared>>
      tpu.enqueue_indirect_dma source(%arg12 : memref<16xf32, #tpu.memory_space<vmem>>) target(%dma_start3A_93 : memref<10000xf32, #tpu.memory_space<vmem_shared>>) offsets(%get3A_91 : vector<16xi32>) semaphore(%arg15 : memref<!tpu.dma_semaphore, #tpu.memory_space<semaphore_mem>>) {add = true}
      %mul3A_94 = arith.constant 25 : i32
      %mul3A_95 = arith.muli %scan3A_44, %mul3A_94 : i32
      %add3A_96 = arith.constant 5 : i32
      %add3A_97 = arith.addi %mul3A_95, %add3A_96 : i32
      %mul3A_98 = arith.constant 16 : i32
      %mul3A_99 = arith.muli %add3A_97, %mul3A_98 : i32
      %get3A_100 = arith.index_cast %mul3A_99 : i32 to index
      %get3A_101 = tpu.vector_load %arg7[%get3A_100] {strides = array<i32>} : memref<10000xi32, #tpu.memory_space<vmem>>, vector<16xi32>,
      %dma_start3A_102 = arith.constant 0 : i32
      %dma_start3A_103 = tpu.memref_slice %arg14[%dma_start3A_102] : memref<10000xf32, #tpu.memory_space<vmem_shared>> -> memref<10000xf32, #tpu.memory_space<vmem_shared>>
      tpu.enqueue_indirect_dma source(%arg12 : memref<16xf32, #tpu.memory_space<vmem>>) target(%dma_start3A_103 : memref<10000xf32, #tpu.memory_space<vmem_shared>>) offsets(%get3A_101 : vector<16xi32>) semaphore(%arg15 : memref<!tpu.dma_semaphore, #tpu.memory_space<semaphore_mem>>) {add = true}
      %mul3A_104 = arith.constant 25 : i32
      %mul3A_105 = arith.muli %scan3A_44, %mul3A_104 : i32
      %add3A_106 = arith.constant 6 : i32
      %add3A_107 = arith.addi %mul3A_105, %add3A_106 : i32
      %mul3A_108 = arith.constant 16 : i32
      %mul3A_109 = arith.muli %add3A_107, %mul3A_108 : i32
      %get3A_110 = arith.index_cast %mul3A_109 : i32 to index
      %get3A_111 = tpu.vector_load %arg7[%get3A_110] {strides = array<i32>} : memref<10000xi32, #tpu.memory_space<vmem>>, vector<16xi32>,
      %dma_start3A_112 = arith.constant 0 : i32
      %dma_start3A_113 = tpu.memref_slice %arg14[%dma_start3A_112] : memref<10000xf32, #tpu.memory_space<vmem_shared>> -> memref<10000xf32, #tpu.memory_space<vmem_shared>>
      tpu.enqueue_indirect_dma source(%arg12 : memref<16xf32, #tpu.memory_space<vmem>>) target(%dma_start3A_113 : memref<10000xf32, #tpu.memory_space<vmem_shared>>) offsets(%get3A_111 : vector<16xi32>) semaphore(%arg15 : memref<!tpu.dma_semaphore, #tpu.memory_space<semaphore_mem>>) {add = true}
      %mul3A_114 = arith.constant 25 : i32
      %mul3A_115 = arith.muli %scan3A_44, %mul3A_114 : i32
      %add3A_116 = arith.constant 7 : i32
      %add3A_117 = arith.addi %mul3A_115, %add3A_116 : i32
      %mul3A_118 = arith.constant 16 : i32
      %mul3A_119 = arith.muli %add3A_117, %mul3A_118 : i32
      %get3A_120 = arith.index_cast %mul3A_119 : i32 to index
      %get3A_121 = tpu.vector_load %arg7[%get3A_120] {strides = array<i32>} : memref<10000xi32, #tpu.memory_space<vmem>>, vector<16xi32>,
      %dma_start3A_122 = arith.constant 0 : i32
      %dma_start3A_123 = tpu.memref_slice %arg14[%dma_start3A_122] : memref<10000xf32, #tpu.memory_space<vmem_shared>> -> memref<10000xf32, #tpu.memory_space<vmem_shared>>
      tpu.enqueue_indirect_dma source(%arg12 : memref<16xf32, #tpu.memory_space<vmem>>) target(%dma_start3A_123 : memref<10000xf32, #tpu.memory_space<vmem_shared>>) offsets(%get3A_121 : vector<16xi32>) semaphore(%arg15 : memref<!tpu.dma_semaphore, #tpu.memory_space<semaphore_mem>>) {add = true}
      %mul3A_124 = arith.constant 25 : i32
      %mul3A_125 = arith.muli %scan3A_44, %mul3A_124 : i32
      %add3A_126 = arith.constant 8 : i32
      %add3A_127 = arith.addi %mul3A_125, %add3A_126 : i32
      %mul3A_128 = arith.constant 16 : i32
      %mul3A_129 = arith.muli %add3A_127, %mul3A_128 : i32
      %get3A_130 = arith.index_cast %mul3A_129 : i32 to index
      %get3A_131 = tpu.vector_load %arg7[%get3A_130] {strides = array<i32>} : memref<10000xi32, #tpu.memory_space<vmem>>, vector<16xi32>,
      %dma_start3A_132 = arith.constant 0 : i32
      %dma_start3A_133 = tpu.memref_slice %arg14[%dma_start3A_132] : memref<10000xf32, #tpu.memory_space<vmem_shared>> -> memref<10000xf32, #tpu.memory_space<vmem_shared>>
      tpu.enqueue_indirect_dma source(%arg12 : memref<16xf32, #tpu.memory_space<vmem>>) target(%dma_start3A_133 : memref<10000xf32, #tpu.memory_space<vmem_shared>>) offsets(%get3A_131 : vector<16xi32>) semaphore(%arg15 : memref<!tpu.dma_semaphore, #tpu.memory_space<semaphore_mem>>) {add = true}
      %mul3A_134 = arith.constant 25 : i32
      %mul3A_135 = arith.muli %scan3A_44, %mul3A_134 : i32
      %add3A_136 = arith.constant 9 : i32
      %add3A_137 = arith.addi %mul3A_135, %add3A_136 : i32
      %mul3A_138 = arith.constant 16 : i32
      %mul3A_139 = arith.muli %add3A_137, %mul3A_138 : i32
      %get3A_140 = arith.index_cast %mul3A_139 : i32 to index
      %get3A_141 = tpu.vector_load %arg7[%get3A_140] {strides = array<i32>} : memref<10000xi32, #tpu.memory_space<vmem>>, vector<16xi32>,
      %dma_start3A_142 = arith.constant 0 : i32
      %dma_start3A_143 = tpu.memref_slice %arg14[%dma_start3A_142] : memref<10000xf32, #tpu.memory_space<vmem_shared>> -> memref<10000xf32, #tpu.memory_space<vmem_shared>>
      tpu.enqueue_indirect_dma source(%arg12 : memref<16xf32, #tpu.memory_space<vmem>>) target(%dma_start3A_143 : memref<10000xf32, #tpu.memory_space<vmem_shared>>) offsets(%get3A_141 : vector<16xi32>) semaphore(%arg15 : memref<!tpu.dma_semaphore, #tpu.memory_space<semaphore_mem>>) {add = true}
      %mul3A_144 = arith.constant 25 : i32
      %mul3A_145 = arith.muli %scan3A_44, %mul3A_144 : i32
      %add3A_146 = arith.constant 10 : i32
      %add3A_147 = arith.addi %mul3A_145, %add3A_146 : i32
      %mul3A_148 = arith.constant 16 : i32
      %mul3A_149 = arith.muli %add3A_147, %mul3A_148 : i32
      %get3A_150 = arith.index_cast %mul3A_149 : i32 to index
      %get3A_151 = tpu.vector_load %arg7[%get3A_150] {strides = array<i32>} : memref<10000xi32, #tpu.memory_space<vmem>>, vector<16xi32>,
      %dma_start3A_152 = arith.constant 0 : i32
      %dma_start3A_153 = tpu.memref_slice %arg14[%dma_start3A_152] : memref<10000xf32, #tpu.memory_space<vmem_shared>> -> memref<10000xf32, #tpu.memory_space<vmem_shared>>
      tpu.enqueue_indirect_dma source(%arg12 : memref<16xf32, #tpu.memory_space<vmem>>) target(%dma_start3A_153 : memref<10000xf32, #tpu.memory_space<vmem_shared>>) offsets(%get3A_151 : vector<16xi32>) semaphore(%arg15 : memref<!tpu.dma_semaphore, #tpu.memory_space<semaphore_mem>>) {add = true}
      %mul3A_154 = arith.constant 25 : i32
      %mul3A_155 = arith.muli %scan3A_44, %mul3A_154 : i32
      %add3A_156 = arith.constant 11 : i32
      %add3A_157 = arith.addi %mul3A_155, %add3A_156 : i32
      %mul3A_158 = arith.constant 16 : i32
      %mul3A_159 = arith.muli %add3A_157, %mul3A_158 : i32
      %get3A_160 = arith.index_cast %mul3A_159 : i32 to index
      %get3A_161 = tpu.vector_load %arg7[%get3A_160] {strides = array<i32>} : memref<10000xi32, #tpu.memory_space<vmem>>, vector<16xi32>,
      %dma_start3A_162 = arith.constant 0 : i32
      %dma_start3A_163 = tpu.memref_slice %arg14[%dma_start3A_162] : memref<10000xf32, #tpu.memory_space<vmem_shared>> -> memref<10000xf32, #tpu.memory_space<vmem_shared>>
      tpu.enqueue_indirect_dma source(%arg12 : memref<16xf32, #tpu.memory_space<vmem>>) target(%dma_start3A_163 : memref<10000xf32, #tpu.memory_space<vmem_shared>>) offsets(%get3A_161 : vector<16xi32>) semaphore(%arg15 : memref<!tpu.dma_semaphore, #tpu.memory_space<semaphore_mem>>) {add = true}
      %mul3A_164 = arith.constant 25 : i32
      %mul3A_165 = arith.muli %scan3A_44, %mul3A_164 : i32
      %add3A_166 = arith.constant 12 : i32
      %add3A_167 = arith.addi %mul3A_165, %add3A_166 : i32
      %mul3A_168 = arith.constant 16 : i32
      %mul3A_169 = arith.muli %add3A_167, %mul3A_168 : i32
      %get3A_170 = arith.index_cast %mul3A_169 : i32 to index
      %get3A_171 = tpu.vector_load %arg7[%get3A_170] {strides = array<i32>} : memref<10000xi32, #tpu.memory_space<vmem>>, vector<16xi32>,
      %dma_start3A_172 = arith.constant 0 : i32
      %dma_start3A_173 = tpu.memref_slice %arg14[%dma_start3A_172] : memref<10000xf32, #tpu.memory_space<vmem_shared>> -> memref<10000xf32, #tpu.memory_space<vmem_shared>>
      tpu.enqueue_indirect_dma source(%arg12 : memref<16xf32, #tpu.memory_space<vmem>>) target(%dma_start3A_173 : memref<10000xf32, #tpu.memory_space<vmem_shared>>) offsets(%get3A_171 : vector<16xi32>) semaphore(%arg15 : memref<!tpu.dma_semaphore, #tpu.memory_space<semaphore_mem>>) {add = true}
      %mul3A_174 = arith.constant 25 : i32
      %mul3A_175 = arith.muli %scan3A_44, %mul3A_174 : i32
      %add3A_176 = arith.constant 13 : i32
      %add3A_177 = arith.addi %mul3A_175, %add3A_176 : i32
      %mul3A_178 = arith.constant 16 : i32
      %mul3A_179 = arith.muli %add3A_177, %mul3A_178 : i32
      %get3A_180 = arith.index_cast %mul3A_179 : i32 to index
      %get3A_181 = tpu.vector_load %arg7[%get3A_180] {strides = array<i32>} : memref<10000xi32, #tpu.memory_space<vmem>>, vector<16xi32>,
      %dma_start3A_182 = arith.constant 0 : i32
      %dma_start3A_183 = tpu.memref_slice %arg14[%dma_start3A_182] : memref<10000xf32, #tpu.memory_space<vmem_shared>> -> memref<10000xf32, #tpu.memory_space<vmem_shared>>
      tpu.enqueue_indirect_dma source(%arg12 : memref<16xf32, #tpu.memory_space<vmem>>) target(%dma_start3A_183 : memref<10000xf32, #tpu.memory_space<vmem_shared>>) offsets(%get3A_181 : vector<16xi32>) semaphore(%arg15 : memref<!tpu.dma_semaphore, #tpu.memory_space<semaphore_mem>>) {add = true}
      %mul3A_184 = arith.constant 25 : i32
      %mul3A_185 = arith.muli %scan3A_44, %mul3A_184 : i32
      %add3A_186 = arith.constant 14 : i32
      %add3A_187 = arith.addi %mul3A_185, %add3A_186 : i32
      %mul3A_188 = arith.constant 16 : i32
      %mul3A_189 = arith.muli %add3A_187, %mul3A_188 : i32
      %get3A_190 = arith.index_cast %mul3A_189 : i32 to index
      %get3A_191 = tpu.vector_load %arg7[%get3A_190] {strides = array<i32>} : memref<10000xi32, #tpu.memory_space<vmem>>, vector<16xi32>,
      %dma_start3A_192 = arith.constant 0 : i32
      %dma_start3A_193 = tpu.memref_slice %arg14[%dma_start3A_192] : memref<10000xf32, #tpu.memory_space<vmem_shared>> -> memref<10000xf32, #tpu.memory_space<vmem_shared>>
      tpu.enqueue_indirect_dma source(%arg12 : memref<16xf32, #tpu.memory_space<vmem>>) target(%dma_start3A_193 : memref<10000xf32, #tpu.memory_space<vmem_shared>>) offsets(%get3A_191 : vector<16xi32>) semaphore(%arg15 : memref<!tpu.dma_semaphore, #tpu.memory_space<semaphore_mem>>) {add = true}
      %mul3A_194 = arith.constant 25 : i32
      %mul3A_195 = arith.muli %scan3A_44, %mul3A_194 : i32
      %add3A_196 = arith.constant 15 : i32
      %add3A_197 = arith.addi %mul3A_195, %add3A_196 : i32
      %mul3A_198 = arith.constant 16 : i32
      %mul3A_199 = arith.muli %add3A_197, %mul3A_198 : i32
      %get3A_200 = arith.index_cast %mul3A_199 : i32 to index
      %get3A_201 = tpu.vector_load %arg7[%get3A_200] {strides = array<i32>} : memref<10000xi32, #tpu.memory_space<vmem>>, vector<16xi32>,
      %dma_start3A_202 = arith.constant 0 : i32
      %dma_start3A_203 = tpu.memref_slice %arg14[%dma_start3A_202] : memref<10000xf32, #tpu.memory_space<vmem_shared>> -> memref<10000xf32, #tpu.memory_space<vmem_shared>>
      tpu.enqueue_indirect_dma source(%arg12 : memref<16xf32, #tpu.memory_space<vmem>>) target(%dma_start3A_203 : memref<10000xf32, #tpu.memory_space<vmem_shared>>) offsets(%get3A_201 : vector<16xi32>) semaphore(%arg15 : memref<!tpu.dma_semaphore, #tpu.memory_space<semaphore_mem>>) {add = true}
      %mul3A_204 = arith.constant 25 : i32
      %mul3A_205 = arith.muli %scan3A_44, %mul3A_204 : i32
      %add3A_206 = arith.constant 16 : i32
      %add3A_207 = arith.addi %mul3A_205, %add3A_206 : i32
      %mul3A_208 = arith.constant 16 : i32
      %mul3A_209 = arith.muli %add3A_207, %mul3A_208 : i32
      %get3A_210 = arith.index_cast %mul3A_209 : i32 to index
      %get3A_211 = tpu.vector_load %arg7[%get3A_210] {strides = array<i32>} : memref<10000xi32, #tpu.memory_space<vmem>>, vector<16xi32>,
      %dma_start3A_212 = arith.constant 0 : i32
      %dma_start3A_213 = tpu.memref_slice %arg14[%dma_start3A_212] : memref<10000xf32, #tpu.memory_space<vmem_shared>> -> memref<10000xf32, #tpu.memory_space<vmem_shared>>
      tpu.enqueue_indirect_dma source(%arg12 : memref<16xf32, #tpu.memory_space<vmem>>) target(%dma_start3A_213 : memref<10000xf32, #tpu.memory_space<vmem_shared>>) offsets(%get3A_211 : vector<16xi32>) semaphore(%arg15 : memref<!tpu.dma_semaphore, #tpu.memory_space<semaphore_mem>>) {add = true}
      %mul3A_214 = arith.constant 25 : i32
      %mul3A_215 = arith.muli %scan3A_44, %mul3A_214 : i32
      %add3A_216 = arith.constant 17 : i32
      %add3A_217 = arith.addi %mul3A_215, %add3A_216 : i32
      %mul3A_218 = arith.constant 16 : i32
      %mul3A_219 = arith.muli %add3A_217, %mul3A_218 : i32
      %get3A_220 = arith.index_cast %mul3A_219 : i32 to index
      %get3A_221 = tpu.vector_load %arg7[%get3A_220] {strides = array<i32>} : memref<10000xi32, #tpu.memory_space<vmem>>, vector<16xi32>,
      %dma_start3A_222 = arith.constant 0 : i32
      %dma_start3A_223 = tpu.memref_slice %arg14[%dma_start3A_222] : memref<10000xf32, #tpu.memory_space<vmem_shared>> -> memref<10000xf32, #tpu.memory_space<vmem_shared>>
      tpu.enqueue_indirect_dma source(%arg12 : memref<16xf32, #tpu.memory_space<vmem>>) target(%dma_start3A_223 : memref<10000xf32, #tpu.memory_space<vmem_shared>>) offsets(%get3A_221 : vector<16xi32>) semaphore(%arg15 : memref<!tpu.dma_semaphore, #tpu.memory_space<semaphore_mem>>) {add = true}
      %mul3A_224 = arith.constant 25 : i32
      %mul3A_225 = arith.muli %scan3A_44, %mul3A_224 : i32
      %add3A_226 = arith.constant 18 : i32
      %add3A_227 = arith.addi %mul3A_225, %add3A_226 : i32
      %mul3A_228 = arith.constant 16 : i32
      %mul3A_229 = arith.muli %add3A_227, %mul3A_228 : i32
      %get3A_230 = arith.index_cast %mul3A_229 : i32 to index
      %get3A_231 = tpu.vector_load %arg7[%get3A_230] {strides = array<i32>} : memref<10000xi32, #tpu.memory_space<vmem>>, vector<16xi32>,
      %dma_start3A_232 = arith.constant 0 : i32
      %dma_start3A_233 = tpu.memref_slice %arg14[%dma_start3A_232] : memref<10000xf32, #tpu.memory_space<vmem_shared>> -> memref<10000xf32, #tpu.memory_space<vmem_shared>>
      tpu.enqueue_indirect_dma source(%arg12 : memref<16xf32, #tpu.memory_space<vmem>>) target(%dma_start3A_233 : memref<10000xf32, #tpu.memory_space<vmem_shared>>) offsets(%get3A_231 : vector<16xi32>) semaphore(%arg15 : memref<!tpu.dma_semaphore, #tpu.memory_space<semaphore_mem>>) {add = true}
      %mul3A_234 = arith.constant 25 : i32
      %mul3A_235 = arith.muli %scan3A_44, %mul3A_234 : i32
      %add3A_236 = arith.constant 19 : i32
      %add3A_237 = arith.addi %mul3A_235, %add3A_236 : i32
      %mul3A_238 = arith.constant 16 : i32
      %mul3A_239 = arith.muli %add3A_237, %mul3A_238 : i32
      %get3A_240 = arith.index_cast %mul3A_239 : i32 to index
      %get3A_241 = tpu.vector_load %arg7[%get3A_240] {strides = array<i32>} : memref<10000xi32, #tpu.memory_space<vmem>>, vector<16xi32>,
      %dma_start3A_242 = arith.constant 0 : i32
      %dma_start3A_243 = tpu.memref_slice %arg14[%dma_start3A_242] : memref<10000xf32, #tpu.memory_space<vmem_shared>> -> memref<10000xf32, #tpu.memory_space<vmem_shared>>
      tpu.enqueue_indirect_dma source(%arg12 : memref<16xf32, #tpu.memory_space<vmem>>) target(%dma_start3A_243 : memref<10000xf32, #tpu.memory_space<vmem_shared>>) offsets(%get3A_241 : vector<16xi32>) semaphore(%arg15 : memref<!tpu.dma_semaphore, #tpu.memory_space<semaphore_mem>>) {add = true}
      %mul3A_244 = arith.constant 25 : i32
      %mul3A_245 = arith.muli %scan3A_44, %mul3A_244 : i32
      %add3A_246 = arith.constant 20 : i32
      %add3A_247 = arith.addi %mul3A_245, %add3A_246 : i32
      %mul3A_248 = arith.constant 16 : i32
      %mul3A_249 = arith.muli %add3A_247, %mul3A_248 : i32
      %get3A_250 = arith.index_cast %mul3A_249 : i32 to index
      %get3A_251 = tpu.vector_load %arg7[%get3A_250] {strides = array<i32>} : memref<10000xi32, #tpu.memory_space<vmem>>, vector<16xi32>,
      %dma_start3A_252 = arith.constant 0 : i32
      %dma_start3A_253 = tpu.memref_slice %arg14[%dma_start3A_252] : memref<10000xf32, #tpu.memory_space<vmem_shared>> -> memref<10000xf32, #tpu.memory_space<vmem_shared>>
      tpu.enqueue_indirect_dma source(%arg12 : memref<16xf32, #tpu.memory_space<vmem>>) target(%dma_start3A_253 : memref<10000xf32, #tpu.memory_space<vmem_shared>>) offsets(%get3A_251 : vector<16xi32>) semaphore(%arg15 : memref<!tpu.dma_semaphore, #tpu.memory_space<semaphore_mem>>) {add = true}
      %mul3A_254 = arith.constant 25 : i32
      %mul3A_255 = arith.muli %scan3A_44, %mul3A_254 : i32
      %add3A_256 = arith.constant 21 : i32
      %add3A_257 = arith.addi %mul3A_255, %add3A_256 : i32
      %mul3A_258 = arith.constant 16 : i32
      %mul3A_259 = arith.muli %add3A_257, %mul3A_258 : i32
      %get3A_260 = arith.index_cast %mul3A_259 : i32 to index
      %get3A_261 = tpu.vector_load %arg7[%get3A_260] {strides = array<i32>} : memref<10000xi32, #tpu.memory_space<vmem>>, vector<16xi32>,
      %dma_start3A_262 = arith.constant 0 : i32
      %dma_start3A_263 = tpu.memref_slice %arg14[%dma_start3A_262] : memref<10000xf32, #tpu.memory_space<vmem_shared>> -> memref<10000xf32, #tpu.memory_space<vmem_shared>>
      tpu.enqueue_indirect_dma source(%arg12 : memref<16xf32, #tpu.memory_space<vmem>>) target(%dma_start3A_263 : memref<10000xf32, #tpu.memory_space<vmem_shared>>) offsets(%get3A_261 : vector<16xi32>) semaphore(%arg15 : memref<!tpu.dma_semaphore, #tpu.memory_space<semaphore_mem>>) {add = true}
      %mul3A_264 = arith.constant 25 : i32
      %mul3A_265 = arith.muli %scan3A_44, %mul3A_264 : i32
      %add3A_266 = arith.constant 22 : i32
      %add3A_267 = arith.addi %mul3A_265, %add3A_266 : i32
      %mul3A_268 = arith.constant 16 : i32
      %mul3A_269 = arith.muli %add3A_267, %mul3A_268 : i32
      %get3A_270 = arith.index_cast %mul3A_269 : i32 to index
      %get3A_271 = tpu.vector_load %arg7[%get3A_270] {strides = array<i32>} : memref<10000xi32, #tpu.memory_space<vmem>>, vector<16xi32>,
      %dma_start3A_272 = arith.constant 0 : i32
      %dma_start3A_273 = tpu.memref_slice %arg14[%dma_start3A_272] : memref<10000xf32, #tpu.memory_space<vmem_shared>> -> memref<10000xf32, #tpu.memory_space<vmem_shared>>
      tpu.enqueue_indirect_dma source(%arg12 : memref<16xf32, #tpu.memory_space<vmem>>) target(%dma_start3A_273 : memref<10000xf32, #tpu.memory_space<vmem_shared>>) offsets(%get3A_271 : vector<16xi32>) semaphore(%arg15 : memref<!tpu.dma_semaphore, #tpu.memory_space<semaphore_mem>>) {add = true}
      %mul3A_274 = arith.constant 25 : i32
      %mul3A_275 = arith.muli %scan3A_44, %mul3A_274 : i32
      %add3A_276 = arith.constant 23 : i32
      %add3A_277 = arith.addi %mul3A_275, %add3A_276 : i32
      %mul3A_278 = arith.constant 16 : i32
      %mul3A_279 = arith.muli %add3A_277, %mul3A_278 : i32
      %get3A_280 = arith.index_cast %mul3A_279 : i32 to index
      %get3A_281 = tpu.vector_load %arg7[%get3A_280] {strides = array<i32>} : memref<10000xi32, #tpu.memory_space<vmem>>, vector<16xi32>,
      %dma_start3A_282 = arith.constant 0 : i32
      %dma_start3A_283 = tpu.memref_slice %arg14[%dma_start3A_282] : memref<10000xf32, #tpu.memory_space<vmem_shared>> -> memref<10000xf32, #tpu.memory_space<vmem_shared>>
      tpu.enqueue_indirect_dma source(%arg12 : memref<16xf32, #tpu.memory_space<vmem>>) target(%dma_start3A_283 : memref<10000xf32, #tpu.memory_space<vmem_shared>>) offsets(%get3A_281 : vector<16xi32>) semaphore(%arg15 : memref<!tpu.dma_semaphore, #tpu.memory_space<semaphore_mem>>) {add = true}
      %mul3A_284 = arith.constant 25 : i32
      %mul3A_285 = arith.muli %scan3A_44, %mul3A_284 : i32
      %add3A_286 = arith.constant 24 : i32
      %add3A_287 = arith.addi %mul3A_285, %add3A_286 : i32
      %mul3A_288 = arith.constant 16 : i32
      %mul3A_289 = arith.muli %add3A_287, %mul3A_288 : i32
      %get3A_290 = arith.index_cast %mul3A_289 : i32 to index
      %get3A_291 = tpu.vector_load %arg7[%get3A_290] {strides = array<i32>} : memref<10000xi32, #tpu.memory_space<vmem>>, vector<16xi32>,
      %dma_start3A_292 = arith.constant 0 : i32
      %dma_start3A_293 = tpu.memref_slice %arg14[%dma_start3A_292] : memref<10000xf32, #tpu.memory_space<vmem_shared>> -> memref<10000xf32, #tpu.memory_space<vmem_shared>>
      tpu.enqueue_indirect_dma source(%arg12 : memref<16xf32, #tpu.memory_space<vmem>>) target(%dma_start3A_293 : memref<10000xf32, #tpu.memory_space<vmem_shared>>) offsets(%get3A_291 : vector<16xi32>) semaphore(%arg15 : memref<!tpu.dma_semaphore, #tpu.memory_space<semaphore_mem>>) {add = true}
      %dma_wait3A_294 = arith.constant 0 : i32
      %dma_wait3A_295 = tpu.memref_slice %arg7[%dma_wait3A_294] : memref<10000xi32, #tpu.memory_space<vmem>> -> memref<400xi32, #tpu.memory_space<vmem>>
      %dma_wait3A_296 = arith.constant 0 : i32
      %dma_wait3A_297 = tpu.memref_slice %arg3[%dma_wait3A_296] : memref<320000xi32, #tpu.memory_space<hbm>> -> memref<400xi32, #tpu.memory_space<hbm>>
      %dma_wait3A_298 = arith.constant 0 : i32
      %dma_wait3A_299 = tpu.memref_slice %arg7[%dma_wait3A_298] : memref<10000xi32, #tpu.memory_space<vmem>> -> memref<400xi32, #tpu.memory_space<vmem>>
      %dma_wait3A_300 = arith.constant 0 : i32
      %dma_wait3A_301 = tpu.memref_slice %arg3[%dma_wait3A_300] : memref<320000xi32, #tpu.memory_space<hbm>> -> memref<400xi32, #tpu.memory_space<hbm>>
      tpu.wait_dma2 semaphore(%arg15 : memref<!tpu.dma_semaphore, #tpu.memory_space<semaphore_mem>>) src(%dma_wait3A_301 : memref<400xi32, #tpu.memory_space<hbm>>) dst(%dma_wait3A_299 : memref<400xi32, #tpu.memory_space<vmem>>)
    }
    %scan3A_14 = arith.constant 25 : i32
    %barrier3A_15 = arith.constant 0 : index
    tpu.barrier barrier_id(%barrier3A_15)
    "tpu.region"() ({
      %run_scoped3A = tpu.sem_alloc : memref<!tpu.dma_semaphore, #tpu.memory_space<semaphore_mem>>
      tpu.enqueue_dma source(%arg14 : memref<10000xf32, #tpu.memory_space<vmem_shared>>) target(%arg6 : memref<10000xf32, #tpu.memory_space<vmem>>) target_semaphore(%run_scoped3A : memref<!tpu.dma_semaphore, #tpu.memory_space<semaphore_mem>>)
      tpu.wait_dma2 semaphore(%run_scoped3A : memref<!tpu.dma_semaphore, #tpu.memory_space<semaphore_mem>>) src(%arg14 : memref<10000xf32, #tpu.memory_space<vmem_shared>>) dst(%arg6 : memref<10000xf32, #tpu.memory_space<vmem>>)
      tpu.yield
    }) : () -> ()
    %scan3A_16 = arith.constant 0 : i32
    %scan3A_17 = arith.constant 0 : i32
    %scan3A_18 = arith.constant 625 : i32
    %scan3A_19 = arith.addi %scan3A_17, %scan3A_18 : i32
    %scan3A_20 = arith.constant 1 : i32
    scf.for %scan3A_44 = %scan3A_17 to %scan3A_19 step %scan3A_20  : i32 {
      %mul3A_45 = arith.constant 16 : i32
      %mul3A_46 = arith.muli %scan3A_44, %mul3A_45 : i32
      %get3A = arith.index_cast %mul3A_46 : i32 to index
      %get3A_47 = tpu.vector_load %arg6[%get3A] {strides = array<i32>} : memref<10000xf32, #tpu.memory_space<vmem>>, vector<16xf32>,
      %bitcast3A = vector.bitcast %get3A_47 : vector<16xf32> to vector<16xi32>
      %broadcast_in_dim3A_48 = arith.constant 1597463007 : i32
      %broadcast_in_dim3A_49 = vector.broadcast %broadcast_in_dim3A_48 : i32 to vector<16xi32>
      %shift_right_logical3A = arith.constant 1 : i32
      %shift_right_logical3A_50 = vector.broadcast %shift_right_logical3A : i32 to vector<16xi32>
      %shift_right_logical3A_51 = arith.shrui %bitcast3A, %shift_right_logical3A_50 : vector<16xi32>
      %sub3A = arith.subi %broadcast_in_dim3A_49, %shift_right_logical3A_51 : vector<16xi32>
      %bitcast3A_52 = vector.bitcast %sub3A : vector<16xi32> to vector<16xf32>
      %mul3A_53 = arith.constant 5.000000e-01 : f32
      %mul3A_54 = vector.broadcast %mul3A_53 : f32 to vector<16xf32>
      %mul3A_55 = arith.mulf %get3A_47, %mul3A_54 : vector<16xf32>
      %mul3A_56 = arith.mulf %mul3A_55, %bitcast3A_52 : vector<16xf32>
      %mul3A_57 = arith.mulf %mul3A_56, %bitcast3A_52 : vector<16xf32>
      %sub3A_58 = arith.constant 1.500000e+00 : f32
      %sub3A_59 = vector.broadcast %sub3A_58 : f32 to vector<16xf32>
      %sub3A_60 = arith.subf %sub3A_59, %mul3A_57 : vector<16xf32>
      %mul3A_61 = arith.mulf %bitcast3A_52, %sub3A_60 : vector<16xf32>
      %mul3A_62 = arith.mulf %mul3A_55, %mul3A_61 : vector<16xf32>
      %mul3A_63 = arith.mulf %mul3A_62, %mul3A_61 : vector<16xf32>
      %sub3A_64 = arith.constant 1.500000e+00 : f32
      %sub3A_65 = vector.broadcast %sub3A_64 : f32 to vector<16xf32>
      %sub3A_66 = arith.subf %sub3A_65, %mul3A_63 : vector<16xf32>
      %mul3A_67 = arith.mulf %mul3A_61, %sub3A_66 : vector<16xf32>
      %mul3A_68 = arith.mulf %mul3A_55, %mul3A_67 : vector<16xf32>
      %mul3A_69 = arith.mulf %mul3A_68, %mul3A_67 : vector<16xf32>
      %sub3A_70 = arith.constant 1.500000e+00 : f32
      %sub3A_71 = vector.broadcast %sub3A_70 : f32 to vector<16xf32>
      %sub3A_72 = arith.subf %sub3A_71, %mul3A_69 : vector<16xf32>
      %mul3A_73 = arith.mulf %mul3A_67, %sub3A_72 : vector<16xf32>
      %gt3A = arith.constant 0.000000e+00 : f32
      %gt3A_74 = vector.broadcast %gt3A : f32 to vector<16xf32>
      %gt3A_75 = arith.cmpf ogt, %get3A_47, %gt3A_74 : vector<16xf32>
      %jit3A = arith.constant 0.000000e+00 : f32
      %broadcast_in_dim3A_76 = vector.broadcast %jit3A : f32 to vector<16xf32>
      %select_n3A = arith.select %gt3A_75, %mul3A_73, %broadcast_in_dim3A_76 : vector<16xi1>, vector<16xf32>
      %mul3A_77 = arith.constant 16 : i32
      %mul3A_78 = arith.muli %scan3A_44, %mul3A_77 : i32
      %swap3A_79 = arith.index_cast %mul3A_78 : i32 to index
      %swap3A_80 = tpu.vector_load %arg6[%swap3A_79] {strides = array<i32>} : memref<10000xf32, #tpu.memory_space<vmem>>, vector<16xf32>,
      tpu.vector_store %arg6[%swap3A_79], %select_n3A {strides = array<i32>} : memref<10000xf32, #tpu.memory_space<vmem>>, vector<16xf32>,
    }
    %scan3A_21 = arith.constant 625 : i32
    %dma_wait3A = tpu.memref_slice %arg2[%mul3A_4] : memref<1280000xi32, #tpu.memory_space<hbm>> -> memref<40000xi32, #tpu.memory_space<hbm>>
    %dma_wait3A_22 = tpu.memref_slice %arg2[%mul3A_4] : memref<1280000xi32, #tpu.memory_space<hbm>> -> memref<40000xi32, #tpu.memory_space<hbm>>
    tpu.wait_dma2 semaphore(%arg17 : memref<!tpu.dma_semaphore, #tpu.memory_space<semaphore_mem>>) src(%dma_wait3A_22 : memref<40000xi32, #tpu.memory_space<hbm>>) dst(%arg5 : memref<40000xi32, #tpu.memory_space<vmem>>)
    %dma_start3A_23 = arith.constant 0 : i32
    %dma_start3A_24 = tpu.memref_slice %arg3[%dma_start3A_23] : memref<320000xi32, #tpu.memory_space<hbm>> -> memref<4000xi32, #tpu.memory_space<hbm>>
    %dma_start3A_25 = arith.constant 0 : i32
    %dma_start3A_26 = tpu.memref_slice %arg3[%dma_start3A_25] : memref<320000xi32, #tpu.memory_space<hbm>> -> memref<4000xi32, #tpu.memory_space<hbm>>
    tpu.enqueue_dma source(%dma_start3A_26 : memref<4000xi32, #tpu.memory_space<hbm>>) target(%arg8 : memref<4000xi32, #tpu.memory_space<vmem>>) target_semaphore(%arg16 : memref<!tpu.dma_semaphore, #tpu.memory_space<semaphore_mem>>)
    %dma_start3A_27 = arith.constant 160000 : i32
    %dma_start3A_28 = tpu.memref_slice %arg3[%dma_start3A_27] : memref<320000xi32, #tpu.memory_space<hbm>> -> memref<4000xi32, #tpu.memory_space<hbm>>
    %dma_start3A_29 = arith.constant 160000 : i32
    %dma_start3A_30 = tpu.memref_slice %arg3[%dma_start3A_29] : memref<320000xi32, #tpu.memory_space<hbm>> -> memref<4000xi32, #tpu.memory_space<hbm>>
    tpu.enqueue_dma source(%dma_start3A_30 : memref<4000xi32, #tpu.memory_space<hbm>>) target(%arg9 : memref<4000xi32, #tpu.memory_space<vmem>>) target_semaphore(%arg16 : memref<!tpu.dma_semaphore, #tpu.memory_space<semaphore_mem>>)
    %broadcast_in_dim3A_31 = arith.constant 0.000000e+00 : f32
    %broadcast_in_dim3A_32 = vector.broadcast %broadcast_in_dim3A_31 : f32 to vector<16xf32>
    %scan3A_33 = arith.constant 0 : i32
    %scan3A_34 = arith.constant 20 : i32
    %scan3A_35 = arith.addi %scan3A_33, %scan3A_34 : i32
    %scan3A_36 = arith.constant 1 : i32
    %scan3A_37:2 = scf.for %scan3A_44 = %scan3A_33 to %scan3A_35 step %scan3A_36 iter_args(%scan3A_45 = %broadcast_in_dim3A_32, %scan3A_46 = %broadcast_in_dim3A_32) -> (vector<16xf32>, vector<16xf32>)  : i32 {
      %mul3A_47 = arith.constant 2 : i32
      %mul3A_48 = arith.muli %scan3A_44, %mul3A_47 : i32
      %add3A_49 = arith.constant 0 : i32
      %add3A_50 = arith.addi %mul3A_48, %add3A_49 : i32
      %dma_wait3A_51 = arith.constant 0 : i32
      %dma_wait3A_52 = tpu.memref_slice %arg3[%dma_wait3A_51] : memref<320000xi32, #tpu.memory_space<hbm>> -> memref<4000xi32, #tpu.memory_space<hbm>>
      %dma_wait3A_53 = arith.constant 0 : i32
      %dma_wait3A_54 = tpu.memref_slice %arg3[%dma_wait3A_53] : memref<320000xi32, #tpu.memory_space<hbm>> -> memref<4000xi32, #tpu.memory_space<hbm>>
      tpu.wait_dma2 semaphore(%arg16 : memref<!tpu.dma_semaphore, #tpu.memory_space<semaphore_mem>>) src(%dma_wait3A_54 : memref<4000xi32, #tpu.memory_space<hbm>>) dst(%arg8 : memref<4000xi32, #tpu.memory_space<vmem>>)
      %dma_wait3A_55 = arith.constant 0 : i32
      %dma_wait3A_56 = tpu.memref_slice %arg3[%dma_wait3A_55] : memref<320000xi32, #tpu.memory_space<hbm>> -> memref<4000xi32, #tpu.memory_space<hbm>>
      %dma_wait3A_57 = arith.constant 0 : i32
      %dma_wait3A_58 = tpu.memref_slice %arg3[%dma_wait3A_57] : memref<320000xi32, #tpu.memory_space<hbm>> -> memref<4000xi32, #tpu.memory_space<hbm>>
      tpu.wait_dma2 semaphore(%arg16 : memref<!tpu.dma_semaphore, #tpu.memory_space<semaphore_mem>>) src(%dma_wait3A_58 : memref<4000xi32, #tpu.memory_space<hbm>>) dst(%arg9 : memref<4000xi32, #tpu.memory_space<vmem>>)
      %add3A_59 = arith.constant 1 : i32
      %add3A_60 = arith.addi %add3A_50, %add3A_59 : i32
      %lt3A = arith.constant 40 : i32
      %lt3A_61 = arith.cmpi slt, %add3A_60, %lt3A : i32
      %convert_element_type3A_62 = arith.extui %lt3A_61 : i1 to i32
      %cond3A_63 = arith.constant 0 : i32
      %cond3A_64 = arith.cmpi ne, %convert_element_type3A_62, %cond3A_63 : i32
      scf.if %cond3A_64 {
        %add3A_91 = arith.constant 1 : i32
        %add3A_92 = arith.addi %add3A_50, %add3A_91 : i32
        %mul3A_93 = arith.constant 4000 : i32
        %mul3A_94 = arith.muli %add3A_92, %mul3A_93 : i32
        %dma_start3A_95 = tpu.memref_slice %arg3[%mul3A_94] : memref<320000xi32, #tpu.memory_space<hbm>> -> memref<4000xi32, #tpu.memory_space<hbm>>
        %dma_start3A_96 = tpu.memref_slice %arg3[%mul3A_94] : memref<320000xi32, #tpu.memory_space<hbm>> -> memref<4000xi32, #tpu.memory_space<hbm>>
        tpu.enqueue_dma source(%dma_start3A_96 : memref<4000xi32, #tpu.memory_space<hbm>>) target(%arg10 : memref<4000xi32, #tpu.memory_space<vmem>>) target_semaphore(%arg17 : memref<!tpu.dma_semaphore, #tpu.memory_space<semaphore_mem>>)
        %add3A_97 = arith.constant 160000 : i32
        %add3A_98 = arith.addi %add3A_97, %mul3A_94 : i32
        %dma_start3A_99 = tpu.memref_slice %arg3[%add3A_98] : memref<320000xi32, #tpu.memory_space<hbm>> -> memref<4000xi32, #tpu.memory_space<hbm>>
        %dma_start3A_100 = tpu.memref_slice %arg3[%add3A_98] : memref<320000xi32, #tpu.memory_space<hbm>> -> memref<4000xi32, #tpu.memory_space<hbm>>
        tpu.enqueue_dma source(%dma_start3A_100 : memref<4000xi32, #tpu.memory_space<hbm>>) target(%arg11 : memref<4000xi32, #tpu.memory_space<vmem>>) target_semaphore(%arg17 : memref<!tpu.dma_semaphore, #tpu.memory_space<semaphore_mem>>)
      } else {
      }
      %parallel_loop3A = arith.constant 0 : i32
      %parallel_loop3A_65 = arith.constant 250 : i32
      %parallel_loop3A_66 = arith.constant 1 : i32
      %parallel_loop3A_67 = scf.for %parallel_loop3A_91 = %parallel_loop3A to %parallel_loop3A_65 step %parallel_loop3A_66 iter_args(%parallel_loop3A_92 = %scan3A_45) -> (vector<16xf32>)  : i32 {
        %parallel_loop3A_93 = arith.constant 16 : i32
        %parallel_loop3A_94 = arith.muli %parallel_loop3A_91, %parallel_loop3A_93 : i32
        %parallel_loop3A_95 = arith.index_cast %parallel_loop3A_94 : i32 to index
        %parallel_loop3A_96 = tpu.vector_load %arg8[%parallel_loop3A_95] {strides = array<i32>} : memref<4000xi32, #tpu.memory_space<vmem>>, vector<16xi32>,
        %parallel_loop3A_97 = arith.constant 16 : i32
        %parallel_loop3A_98 = arith.muli %parallel_loop3A_91, %parallel_loop3A_97 : i32
        %parallel_loop3A_99 = arith.index_cast %parallel_loop3A_98 : i32 to index
        %parallel_loop3A_100 = tpu.vector_load %arg9[%parallel_loop3A_99] {strides = array<i32>} : memref<4000xi32, #tpu.memory_space<vmem>>, vector<16xi32>,
        %parallel_loop3A_101 = tpu.vector_load_idx %arg6[%parallel_loop3A_96] : memref<10000xf32, #tpu.memory_space<vmem>>[vector<16xi32>], vector<16xf32>,
        %parallel_loop3A_102 = tpu.vector_load_idx %arg6[%parallel_loop3A_100] : memref<10000xf32, #tpu.memory_space<vmem>>[vector<16xi32>], vector<16xf32>,
        %parallel_loop3A_103 = arith.mulf %parallel_loop3A_101, %parallel_loop3A_102 : vector<16xf32>
        %parallel_loop3A_104 = arith.constant 0 : i32
        %parallel_loop3A_105 = vector.broadcast %parallel_loop3A_104 : i32 to vector<16xi32>
        %parallel_loop3A_106 = arith.addi %parallel_loop3A_96, %parallel_loop3A_105 : vector<16xi32>
        %parallel_loop3A_107 = tpu.vector_load_idx %arg5[%parallel_loop3A_106] : memref<40000xi32, #tpu.memory_space<vmem>>[vector<16xi32>], vector<16xi32>,
        %parallel_loop3A_108 = arith.constant 0 : i32
        %parallel_loop3A_109 = vector.broadcast %parallel_loop3A_108 : i32 to vector<16xi32>
        %parallel_loop3A_110 = arith.addi %parallel_loop3A_100, %parallel_loop3A_109 : vector<16xi32>
        %parallel_loop3A_111 = tpu.vector_load_idx %arg5[%parallel_loop3A_110] : memref<40000xi32, #tpu.memory_space<vmem>>[vector<16xi32>], vector<16xi32>,
        %parallel_loop3A_112 = vector.bitcast %parallel_loop3A_107 : vector<16xi32> to vector<32xbf16>
        %parallel_loop3A_113 = vector.bitcast %parallel_loop3A_111 : vector<16xi32> to vector<32xbf16>
        %parallel_loop3A_114 = arith.subf %parallel_loop3A_112, %parallel_loop3A_113 : vector<32xbf16>
        %parallel_loop3A_115 = arith.mulf %parallel_loop3A_114, %parallel_loop3A_114 : vector<32xbf16>
        %parallel_loop3A_116 = arith.constant 10000 : i32
        %parallel_loop3A_117 = vector.broadcast %parallel_loop3A_116 : i32 to vector<16xi32>
        %parallel_loop3A_118 = arith.addi %parallel_loop3A_96, %parallel_loop3A_117 : vector<16xi32>
        %parallel_loop3A_119 = tpu.vector_load_idx %arg5[%parallel_loop3A_118] : memref<40000xi32, #tpu.memory_space<vmem>>[vector<16xi32>], vector<16xi32>,
        %parallel_loop3A_120 = arith.constant 10000 : i32
        %parallel_loop3A_121 = vector.broadcast %parallel_loop3A_120 : i32 to vector<16xi32>
        %parallel_loop3A_122 = arith.addi %parallel_loop3A_100, %parallel_loop3A_121 : vector<16xi32>
        %parallel_loop3A_123 = tpu.vector_load_idx %arg5[%parallel_loop3A_122] : memref<40000xi32, #tpu.memory_space<vmem>>[vector<16xi32>], vector<16xi32>,
        %parallel_loop3A_124 = vector.bitcast %parallel_loop3A_119 : vector<16xi32> to vector<32xbf16>
        %parallel_loop3A_125 = vector.bitcast %parallel_loop3A_123 : vector<16xi32> to vector<32xbf16>
        %parallel_loop3A_126 = arith.subf %parallel_loop3A_124, %parallel_loop3A_125 : vector<32xbf16>
        %parallel_loop3A_127 = arith.mulf %parallel_loop3A_126, %parallel_loop3A_126 : vector<32xbf16>
        %parallel_loop3A_128 = arith.addf %parallel_loop3A_115, %parallel_loop3A_127 : vector<32xbf16>
        %parallel_loop3A_129 = arith.constant 20000 : i32
        %parallel_loop3A_130 = vector.broadcast %parallel_loop3A_129 : i32 to vector<16xi32>
        %parallel_loop3A_131 = arith.addi %parallel_loop3A_96, %parallel_loop3A_130 : vector<16xi32>
        %parallel_loop3A_132 = tpu.vector_load_idx %arg5[%parallel_loop3A_131] : memref<40000xi32, #tpu.memory_space<vmem>>[vector<16xi32>], vector<16xi32>,
        %parallel_loop3A_133 = arith.constant 20000 : i32
        %parallel_loop3A_134 = vector.broadcast %parallel_loop3A_133 : i32 to vector<16xi32>
        %parallel_loop3A_135 = arith.addi %parallel_loop3A_100, %parallel_loop3A_134 : vector<16xi32>
        %parallel_loop3A_136 = tpu.vector_load_idx %arg5[%parallel_loop3A_135] : memref<40000xi32, #tpu.memory_space<vmem>>[vector<16xi32>], vector<16xi32>,
        %parallel_loop3A_137 = vector.bitcast %parallel_loop3A_132 : vector<16xi32> to vector<32xbf16>
        %parallel_loop3A_138 = vector.bitcast %parallel_loop3A_136 : vector<16xi32> to vector<32xbf16>
        %parallel_loop3A_139 = arith.subf %parallel_loop3A_137, %parallel_loop3A_138 : vector<32xbf16>
        %parallel_loop3A_140 = arith.mulf %parallel_loop3A_139, %parallel_loop3A_139 : vector<32xbf16>
        %parallel_loop3A_141 = arith.addf %parallel_loop3A_128, %parallel_loop3A_140 : vector<32xbf16>
        %parallel_loop3A_142 = arith.constant 30000 : i32
        %parallel_loop3A_143 = vector.broadcast %parallel_loop3A_142 : i32 to vector<16xi32>
        %parallel_loop3A_144 = arith.addi %parallel_loop3A_96, %parallel_loop3A_143 : vector<16xi32>
        %parallel_loop3A_145 = tpu.vector_load_idx %arg5[%parallel_loop3A_144] : memref<40000xi32, #tpu.memory_space<vmem>>[vector<16xi32>], vector<16xi32>,
        %parallel_loop3A_146 = arith.constant 30000 : i32
        %parallel_loop3A_147 = vector.broadcast %parallel_loop3A_146 : i32 to vector<16xi32>
        %parallel_loop3A_148 = arith.addi %parallel_loop3A_100, %parallel_loop3A_147 : vector<16xi32>
        %parallel_loop3A_149 = tpu.vector_load_idx %arg5[%parallel_loop3A_148] : memref<40000xi32, #tpu.memory_space<vmem>>[vector<16xi32>], vector<16xi32>,
        %parallel_loop3A_150 = vector.bitcast %parallel_loop3A_145 : vector<16xi32> to vector<32xbf16>
        %parallel_loop3A_151 = vector.bitcast %parallel_loop3A_149 : vector<16xi32> to vector<32xbf16>
        %parallel_loop3A_152 = arith.subf %parallel_loop3A_150, %parallel_loop3A_151 : vector<32xbf16>
        %parallel_loop3A_153 = arith.mulf %parallel_loop3A_152, %parallel_loop3A_152 : vector<32xbf16>
        %parallel_loop3A_154 = arith.addf %parallel_loop3A_141, %parallel_loop3A_153 : vector<32xbf16>
        %parallel_loop3A_155 = tpu.unpack_subelements %parallel_loop3A_154, 0 {pack_format = #tpu.pack_format<interleaved>} : vector<32xbf16> -> vector<16xf32>
        %parallel_loop3A_156 = tpu.unpack_subelements %parallel_loop3A_154, 1 {pack_format = #tpu.pack_format<interleaved>} : vector<32xbf16> -> vector<16xf32>
        %parallel_loop3A_157 = arith.addf %parallel_loop3A_155, %parallel_loop3A_156 : vector<16xf32>
        %parallel_loop3A_158 = arith.mulf %parallel_loop3A_103, %parallel_loop3A_157 : vector<16xf32>
        %parallel_loop3A_159 = arith.addf %parallel_loop3A_92, %parallel_loop3A_158 : vector<16xf32>
        scf.yield %parallel_loop3A_159 : vector<16xf32>
      } {sc.loop_unroll_factor = 2 : i64, sc.parallel_access}
      %mul3A_68 = arith.constant 2 : i32
      %mul3A_69 = arith.muli %scan3A_44, %mul3A_68 : i32
      %add3A_70 = arith.constant 1 : i32
      %add3A_71 = arith.addi %mul3A_69, %add3A_70 : i32
      %dma_wait3A_72 = arith.constant 0 : i32
      %dma_wait3A_73 = tpu.memref_slice %arg3[%dma_wait3A_72] : memref<320000xi32, #tpu.memory_space<hbm>> -> memref<4000xi32, #tpu.memory_space<hbm>>
      %dma_wait3A_74 = arith.constant 0 : i32
      %dma_wait3A_75 = tpu.memref_slice %arg3[%dma_wait3A_74] : memref<320000xi32, #tpu.memory_space<hbm>> -> memref<4000xi32, #tpu.memory_space<hbm>>
      tpu.wait_dma2 semaphore(%arg17 : memref<!tpu.dma_semaphore, #tpu.memory_space<semaphore_mem>>) src(%dma_wait3A_75 : memref<4000xi32, #tpu.memory_space<hbm>>) dst(%arg10 : memref<4000xi32, #tpu.memory_space<vmem>>)
      %dma_wait3A_76 = arith.constant 0 : i32
      %dma_wait3A_77 = tpu.memref_slice %arg3[%dma_wait3A_76] : memref<320000xi32, #tpu.memory_space<hbm>> -> memref<4000xi32, #tpu.memory_space<hbm>>
      %dma_wait3A_78 = arith.constant 0 : i32
      %dma_wait3A_79 = tpu.memref_slice %arg3[%dma_wait3A_78] : memref<320000xi32, #tpu.memory_space<hbm>> -> memref<4000xi32, #tpu.memory_space<hbm>>
      tpu.wait_dma2 semaphore(%arg17 : memref<!tpu.dma_semaphore, #tpu.memory_space<semaphore_mem>>) src(%dma_wait3A_79 : memref<4000xi32, #tpu.memory_space<hbm>>) dst(%arg11 : memref<4000xi32, #tpu.memory_space<vmem>>)
      %add3A_80 = arith.constant 1 : i32
      %add3A_81 = arith.addi %add3A_71, %add3A_80 : i32
      %lt3A_82 = arith.constant 40 : i32
      %lt3A_83 = arith.cmpi slt, %add3A_81, %lt3A_82 : i32
      %convert_element_type3A_84 = arith.extui %lt3A_83 : i1 to i32
      %cond3A_85 = arith.constant 0 : i32
      %cond3A_86 = arith.cmpi ne, %convert_element_type3A_84, %cond3A_85 : i32
      scf.if %cond3A_86 {
        %add3A_91 = arith.constant 1 : i32
        %add3A_92 = arith.addi %add3A_71, %add3A_91 : i32
        %mul3A_93 = arith.constant 4000 : i32
        %mul3A_94 = arith.muli %add3A_92, %mul3A_93 : i32
        %dma_start3A_95 = tpu.memref_slice %arg3[%mul3A_94] : memref<320000xi32, #tpu.memory_space<hbm>> -> memref<4000xi32, #tpu.memory_space<hbm>>
        %dma_start3A_96 = tpu.memref_slice %arg3[%mul3A_94] : memref<320000xi32, #tpu.memory_space<hbm>> -> memref<4000xi32, #tpu.memory_space<hbm>>
        tpu.enqueue_dma source(%dma_start3A_96 : memref<4000xi32, #tpu.memory_space<hbm>>) target(%arg8 : memref<4000xi32, #tpu.memory_space<vmem>>) target_semaphore(%arg16 : memref<!tpu.dma_semaphore, #tpu.memory_space<semaphore_mem>>)
        %add3A_97 = arith.constant 160000 : i32
        %add3A_98 = arith.addi %add3A_97, %mul3A_94 : i32
        %dma_start3A_99 = tpu.memref_slice %arg3[%add3A_98] : memref<320000xi32, #tpu.memory_space<hbm>> -> memref<4000xi32, #tpu.memory_space<hbm>>
        %dma_start3A_100 = tpu.memref_slice %arg3[%add3A_98] : memref<320000xi32, #tpu.memory_space<hbm>> -> memref<4000xi32, #tpu.memory_space<hbm>>
        tpu.enqueue_dma source(%dma_start3A_100 : memref<4000xi32, #tpu.memory_space<hbm>>) target(%arg9 : memref<4000xi32, #tpu.memory_space<vmem>>) target_semaphore(%arg16 : memref<!tpu.dma_semaphore, #tpu.memory_space<semaphore_mem>>)
      } else {
      }
      %parallel_loop3A_87 = arith.constant 0 : i32
      %parallel_loop3A_88 = arith.constant 250 : i32
      %parallel_loop3A_89 = arith.constant 1 : i32
      %parallel_loop3A_90 = scf.for %parallel_loop3A_91 = %parallel_loop3A_87 to %parallel_loop3A_88 step %parallel_loop3A_89 iter_args(%parallel_loop3A_92 = %scan3A_46) -> (vector<16xf32>)  : i32 {
        %parallel_loop3A_93 = arith.constant 16 : i32
        %parallel_loop3A_94 = arith.muli %parallel_loop3A_91, %parallel_loop3A_93 : i32
        %parallel_loop3A_95 = arith.index_cast %parallel_loop3A_94 : i32 to index
        %parallel_loop3A_96 = tpu.vector_load %arg10[%parallel_loop3A_95] {strides = array<i32>} : memref<4000xi32, #tpu.memory_space<vmem>>, vector<16xi32>,
        %parallel_loop3A_97 = arith.constant 16 : i32
        %parallel_loop3A_98 = arith.muli %parallel_loop3A_91, %parallel_loop3A_97 : i32
        %parallel_loop3A_99 = arith.index_cast %parallel_loop3A_98 : i32 to index
        %parallel_loop3A_100 = tpu.vector_load %arg11[%parallel_loop3A_99] {strides = array<i32>} : memref<4000xi32, #tpu.memory_space<vmem>>, vector<16xi32>,
        %parallel_loop3A_101 = tpu.vector_load_idx %arg6[%parallel_loop3A_96] : memref<10000xf32, #tpu.memory_space<vmem>>[vector<16xi32>], vector<16xf32>,
        %parallel_loop3A_102 = tpu.vector_load_idx %arg6[%parallel_loop3A_100] : memref<10000xf32, #tpu.memory_space<vmem>>[vector<16xi32>], vector<16xf32>,
        %parallel_loop3A_103 = arith.mulf %parallel_loop3A_101, %parallel_loop3A_102 : vector<16xf32>
        %parallel_loop3A_104 = arith.constant 0 : i32
        %parallel_loop3A_105 = vector.broadcast %parallel_loop3A_104 : i32 to vector<16xi32>
        %parallel_loop3A_106 = arith.addi %parallel_loop3A_96, %parallel_loop3A_105 : vector<16xi32>
        %parallel_loop3A_107 = tpu.vector_load_idx %arg5[%parallel_loop3A_106] : memref<40000xi32, #tpu.memory_space<vmem>>[vector<16xi32>], vector<16xi32>,
        %parallel_loop3A_108 = arith.constant 0 : i32
        %parallel_loop3A_109 = vector.broadcast %parallel_loop3A_108 : i32 to vector<16xi32>
        %parallel_loop3A_110 = arith.addi %parallel_loop3A_100, %parallel_loop3A_109 : vector<16xi32>
        %parallel_loop3A_111 = tpu.vector_load_idx %arg5[%parallel_loop3A_110] : memref<40000xi32, #tpu.memory_space<vmem>>[vector<16xi32>], vector<16xi32>,
        %parallel_loop3A_112 = vector.bitcast %parallel_loop3A_107 : vector<16xi32> to vector<32xbf16>
        %parallel_loop3A_113 = vector.bitcast %parallel_loop3A_111 : vector<16xi32> to vector<32xbf16>
        %parallel_loop3A_114 = arith.subf %parallel_loop3A_112, %parallel_loop3A_113 : vector<32xbf16>
        %parallel_loop3A_115 = arith.mulf %parallel_loop3A_114, %parallel_loop3A_114 : vector<32xbf16>
        %parallel_loop3A_116 = arith.constant 10000 : i32
        %parallel_loop3A_117 = vector.broadcast %parallel_loop3A_116 : i32 to vector<16xi32>
        %parallel_loop3A_118 = arith.addi %parallel_loop3A_96, %parallel_loop3A_117 : vector<16xi32>
        %parallel_loop3A_119 = tpu.vector_load_idx %arg5[%parallel_loop3A_118] : memref<40000xi32, #tpu.memory_space<vmem>>[vector<16xi32>], vector<16xi32>,
        %parallel_loop3A_120 = arith.constant 10000 : i32
        %parallel_loop3A_121 = vector.broadcast %parallel_loop3A_120 : i32 to vector<16xi32>
        %parallel_loop3A_122 = arith.addi %parallel_loop3A_100, %parallel_loop3A_121 : vector<16xi32>
        %parallel_loop3A_123 = tpu.vector_load_idx %arg5[%parallel_loop3A_122] : memref<40000xi32, #tpu.memory_space<vmem>>[vector<16xi32>], vector<16xi32>,
        %parallel_loop3A_124 = vector.bitcast %parallel_loop3A_119 : vector<16xi32> to vector<32xbf16>
        %parallel_loop3A_125 = vector.bitcast %parallel_loop3A_123 : vector<16xi32> to vector<32xbf16>
        %parallel_loop3A_126 = arith.subf %parallel_loop3A_124, %parallel_loop3A_125 : vector<32xbf16>
        %parallel_loop3A_127 = arith.mulf %parallel_loop3A_126, %parallel_loop3A_126 : vector<32xbf16>
        %parallel_loop3A_128 = arith.addf %parallel_loop3A_115, %parallel_loop3A_127 : vector<32xbf16>
        %parallel_loop3A_129 = arith.constant 20000 : i32
        %parallel_loop3A_130 = vector.broadcast %parallel_loop3A_129 : i32 to vector<16xi32>
        %parallel_loop3A_131 = arith.addi %parallel_loop3A_96, %parallel_loop3A_130 : vector<16xi32>
        %parallel_loop3A_132 = tpu.vector_load_idx %arg5[%parallel_loop3A_131] : memref<40000xi32, #tpu.memory_space<vmem>>[vector<16xi32>], vector<16xi32>,
        %parallel_loop3A_133 = arith.constant 20000 : i32
        %parallel_loop3A_134 = vector.broadcast %parallel_loop3A_133 : i32 to vector<16xi32>
        %parallel_loop3A_135 = arith.addi %parallel_loop3A_100, %parallel_loop3A_134 : vector<16xi32>
        %parallel_loop3A_136 = tpu.vector_load_idx %arg5[%parallel_loop3A_135] : memref<40000xi32, #tpu.memory_space<vmem>>[vector<16xi32>], vector<16xi32>,
        %parallel_loop3A_137 = vector.bitcast %parallel_loop3A_132 : vector<16xi32> to vector<32xbf16>
        %parallel_loop3A_138 = vector.bitcast %parallel_loop3A_136 : vector<16xi32> to vector<32xbf16>
        %parallel_loop3A_139 = arith.subf %parallel_loop3A_137, %parallel_loop3A_138 : vector<32xbf16>
        %parallel_loop3A_140 = arith.mulf %parallel_loop3A_139, %parallel_loop3A_139 : vector<32xbf16>
        %parallel_loop3A_141 = arith.addf %parallel_loop3A_128, %parallel_loop3A_140 : vector<32xbf16>
        %parallel_loop3A_142 = arith.constant 30000 : i32
        %parallel_loop3A_143 = vector.broadcast %parallel_loop3A_142 : i32 to vector<16xi32>
        %parallel_loop3A_144 = arith.addi %parallel_loop3A_96, %parallel_loop3A_143 : vector<16xi32>
        %parallel_loop3A_145 = tpu.vector_load_idx %arg5[%parallel_loop3A_144] : memref<40000xi32, #tpu.memory_space<vmem>>[vector<16xi32>], vector<16xi32>,
        %parallel_loop3A_146 = arith.constant 30000 : i32
        %parallel_loop3A_147 = vector.broadcast %parallel_loop3A_146 : i32 to vector<16xi32>
        %parallel_loop3A_148 = arith.addi %parallel_loop3A_100, %parallel_loop3A_147 : vector<16xi32>
        %parallel_loop3A_149 = tpu.vector_load_idx %arg5[%parallel_loop3A_148] : memref<40000xi32, #tpu.memory_space<vmem>>[vector<16xi32>], vector<16xi32>,
        %parallel_loop3A_150 = vector.bitcast %parallel_loop3A_145 : vector<16xi32> to vector<32xbf16>
        %parallel_loop3A_151 = vector.bitcast %parallel_loop3A_149 : vector<16xi32> to vector<32xbf16>
        %parallel_loop3A_152 = arith.subf %parallel_loop3A_150, %parallel_loop3A_151 : vector<32xbf16>
        %parallel_loop3A_153 = arith.mulf %parallel_loop3A_152, %parallel_loop3A_152 : vector<32xbf16>
        %parallel_loop3A_154 = arith.addf %parallel_loop3A_141, %parallel_loop3A_153 : vector<32xbf16>
        %parallel_loop3A_155 = tpu.unpack_subelements %parallel_loop3A_154, 0 {pack_format = #tpu.pack_format<interleaved>} : vector<32xbf16> -> vector<16xf32>
        %parallel_loop3A_156 = tpu.unpack_subelements %parallel_loop3A_154, 1 {pack_format = #tpu.pack_format<interleaved>} : vector<32xbf16> -> vector<16xf32>
        %parallel_loop3A_157 = arith.addf %parallel_loop3A_155, %parallel_loop3A_156 : vector<16xf32>
        %parallel_loop3A_158 = arith.mulf %parallel_loop3A_103, %parallel_loop3A_157 : vector<16xf32>
        %parallel_loop3A_159 = arith.addf %parallel_loop3A_92, %parallel_loop3A_158 : vector<16xf32>
        scf.yield %parallel_loop3A_159 : vector<16xf32>
      } {sc.loop_unroll_factor = 2 : i64, sc.parallel_access}
      scf.yield %parallel_loop3A_67, %parallel_loop3A_90 : vector<16xf32>, vector<16xf32>
    }
    %scan3A_38 = arith.constant 20 : i32
    %add3A_39 = arith.addf %scan3A_37#0, %scan3A_37#1 : vector<16xf32>
    %swap3A_40 = arith.constant 0 : index
    %swap3A_41 = tpu.vector_load %arg13[%swap3A_40] {strides = array<i32>} : memref<16xf32, #tpu.memory_space<vmem>>, vector<16xf32>,
    tpu.vector_store %arg13[%swap3A_40], %add3A_39 {strides = array<i32>} : memref<16xf32, #tpu.memory_space<vmem>>, vector<16xf32>,
    %mul3A_42 = arith.constant 16 : i32
    %mul3A_43 = arith.muli %add3A, %mul3A_42 : i32
    "tpu.region"() ({
      %run_scoped3A = tpu.sem_alloc : memref<!tpu.dma_semaphore, #tpu.memory_space<semaphore_mem>>
      %dma_start3A_44 = tpu.memref_slice %arg4[%mul3A_43] : memref<512xf32, #tpu.memory_space<hbm>> -> memref<16xf32, #tpu.memory_space<hbm>>
      %dma_start3A_45 = tpu.memref_slice %arg4[%mul3A_43] : memref<512xf32, #tpu.memory_space<hbm>> -> memref<16xf32, #tpu.memory_space<hbm>>
      tpu.enqueue_dma source(%arg13 : memref<16xf32, #tpu.memory_space<vmem>>) target(%dma_start3A_45 : memref<16xf32, #tpu.memory_space<hbm>>) target_semaphore(%run_scoped3A : memref<!tpu.dma_semaphore, #tpu.memory_space<semaphore_mem>>)
      %dma_wait3A_46 = tpu.memref_slice %arg4[%mul3A_43] : memref<512xf32, #tpu.memory_space<hbm>> -> memref<16xf32, #tpu.memory_space<hbm>>
      %dma_wait3A_47 = tpu.memref_slice %arg4[%mul3A_43] : memref<512xf32, #tpu.memory_space<hbm>> -> memref<16xf32, #tpu.memory_space<hbm>>
      tpu.wait_dma2 semaphore(%run_scoped3A : memref<!tpu.dma_semaphore, #tpu.memory_space<semaphore_mem>>) src(%arg13 : memref<16xf32, #tpu.memory_space<vmem>>) dst(%dma_wait3A_47 : memref<16xf32, #tpu.memory_space<hbm>>)
      tpu.yield
    }) : () -> ()
    return
  }
}

module attributes {stable_mosaic.version = 14 : i64} {
  func.func @_tc_body(%arg0: memref<1x1000xf32, #tpu.memory_space<vmem>>, %arg1: memref<1xi32, #tpu.memory_space<smem>>, %arg2: memref<10000x256xf32, #tpu.memory_space<vmem>>, %arg3: memref<1xf32, #tpu.memory_space<smem>>, %arg4: memref<128x10000xi32, #tpu.memory_space<vmem>>) attributes {dimension_semantics = [], scalar_prefetch = 0 : i64, scratch_operands = 0 : i64, tpu.core_type = #tpu.core_type<tc>} {
    %get3A = arith.constant 0 : index
    %get3A_0 = arith.constant 0 : index
    %get3A_1 = vector.load %arg0[%get3A, %get3A_0] : memref<1x1000xf32, #tpu.memory_space<vmem>>, vector<1x1000xf32>
    %reduce_max3A = vector.shape_cast %get3A_1 : vector<1x1000xf32> to vector<1x1x1000xf32>
    %reduce_max3A_2 = arith.constant dense<0xFF800000> : vector<1xf32>
    %reduce_max3A_3 = vector.multi_reduction <maximumf>, %reduce_max3A, %reduce_max3A_2 [1, 2] : vector<1x1x1000xf32> to vector<1xf32>
    %reduce_max3A_4 = vector.shape_cast %reduce_max3A_3 : vector<1xf32> to vector<1x1x1xf32>
    %reduce_max3A_5 = vector.extract %reduce_max3A_4[0, 0, 0] : f32 from vector<1x1x1xf32>
    %sub3A = vector.broadcast %reduce_max3A_5 : f32 to vector<1x1000xf32>
    %sub3A_6 = arith.subf %get3A_1, %sub3A : vector<1x1000xf32>
    %exp3A = math.exp %sub3A_6 : vector<1x1000xf32>
    %reduce_sum3A = vector.shape_cast %exp3A : vector<1x1000xf32> to vector<1x1x1000xf32>
    %reduce_sum3A_7 = arith.constant dense<0.000000e+00> : vector<1xf32>
    %reduce_sum3A_8 = vector.multi_reduction <add>, %reduce_sum3A, %reduce_sum3A_7 [1, 2] : vector<1x1x1000xf32> to vector<1xf32>
    %reduce_sum3A_9 = vector.shape_cast %reduce_sum3A_8 : vector<1xf32> to vector<1x1x1xf32>
    %reduce_sum3A_10 = vector.extract %reduce_sum3A_9[0, 0, 0] : f32 from vector<1x1x1xf32>
    %log3A = math.log %reduce_sum3A_10 : f32
    %add3A = arith.addf %log3A, %reduce_max3A_5 : f32
    %get3A_11 = arith.constant 0 : index
    %get3A_12 = memref.load %arg1[%get3A_11] : memref<1xi32, #tpu.memory_space<smem>>
    %iota3A = tpu.iota {dimensions = array<i32: 1>} : vector<1x1000xi32>
    %eq3A = vector.broadcast %get3A_12 : i32 to vector<1x1000xi32>
    %eq3A_13 = arith.cmpi eq, %iota3A, %eq3A : vector<1x1000xi32>
    %jit3A = arith.constant 0.000000e+00 : f32
    %broadcast_in_dim3A = vector.broadcast %jit3A : f32 to vector<1x1000xf32>
    %select_n3A = arith.select %eq3A_13, %get3A_1, %broadcast_in_dim3A : vector<1x1000xi1>, vector<1x1000xf32>
    %reduce_sum3A_14 = vector.shape_cast %select_n3A : vector<1x1000xf32> to vector<1x1x1000xf32>
    %reduce_sum3A_15 = arith.constant dense<0.000000e+00> : vector<1xf32>
    %reduce_sum3A_16 = vector.multi_reduction <add>, %reduce_sum3A_14, %reduce_sum3A_15 [1, 2] : vector<1x1x1000xf32> to vector<1xf32>
    %reduce_sum3A_17 = vector.shape_cast %reduce_sum3A_16 : vector<1xf32> to vector<1x1x1xf32>
    %reduce_sum3A_18 = vector.extract %reduce_sum3A_17[0, 0, 0] : f32 from vector<1x1x1xf32>
    %sub3A_19 = arith.subf %add3A, %reduce_sum3A_18 : f32
    %swap3A = arith.constant 0 : index
    %swap3A_20 = memref.load %arg3[%swap3A] : memref<1xf32, #tpu.memory_space<smem>>
    memref.store %sub3A_19, %arg3[%swap3A] : memref<1xf32, #tpu.memory_space<smem>>
    %get3A_21 = arith.constant 0 : index
    %get3A_22 = arith.constant 0 : index
    %get3A_23 = vector.load %arg2[%get3A_21, %get3A_22] : memref<10000x256xf32, #tpu.memory_space<vmem>>, vector<10000x256xf32>
    %transpose3A = tpu.transpose %get3A_23, [1, 0] : vector<10000x256xf32> -> vector<256x10000xf32>
    %slice3A = vector.extract_strided_slice %transpose3A {offsets = [0, 0], sizes = [128, 10000], strides = [1, 1]} : vector<256x10000xf32> to vector<128x10000xf32>
    %convert_element_type3A = arith.truncf %slice3A : vector<128x10000xf32> to vector<128x10000xbf16>
    %slice3A_24 = vector.extract_strided_slice %transpose3A {offsets = [128, 0], sizes = [128, 10000], strides = [1, 1]} : vector<256x10000xf32> to vector<128x10000xf32>
    %convert_element_type3A_25 = arith.truncf %slice3A_24 : vector<128x10000xf32> to vector<128x10000xbf16>
    %bitcast_convert_type3A = tpu.bitcast %convert_element_type3A : vector<128x10000xbf16> -> vector<128x10000xi16>
    %convert_element_type3A_26 = arith.extui %bitcast_convert_type3A : vector<128x10000xi16> to vector<128x10000xi32>
    %bitcast_convert_type3A_27 = tpu.bitcast %convert_element_type3A_25 : vector<128x10000xbf16> -> vector<128x10000xi16>
    %convert_element_type3A_28 = arith.extui %bitcast_convert_type3A_27 : vector<128x10000xi16> to vector<128x10000xi32>
    %shift_left3A = arith.constant 16 : i32
    %shift_left3A_29 = vector.broadcast %shift_left3A : i32 to vector<128x10000xi32>
    %shift_left3A_30 = arith.shli %convert_element_type3A_28, %shift_left3A_29 : vector<128x10000xi32>
    %or3A = arith.ori %convert_element_type3A_26, %shift_left3A_30 : vector<128x10000xi32>
    %bitcast_convert_type3A_31 = tpu.bitcast %or3A : vector<128x10000xi32> -> vector<128x10000xi32>
    %swap3A_32 = arith.constant 0 : index
    %swap3A_33 = arith.constant 0 : index
    %swap3A_34 = vector.load %arg4[%swap3A_32, %swap3A_33] : memref<128x10000xi32, #tpu.memory_space<vmem>>, vector<128x10000xi32>
    tpu.vector_store %arg4[%swap3A_32, %swap3A_33], %bitcast_convert_type3A_31 {strides = array<i32>} : memref<128x10000xi32, #tpu.memory_space<vmem>>, vector<128x10000xi32>,
    return
  }
}

</mosaic_0001>

<sc_bundles>
// kernel: kernel.4.cloned.1.call-start
scs
__scs_entry_jumppad:
0x0: {  	(pc) =	sbr.rel $0x88, $3  }
0x1: {  	(tag) =	ssettag $0x0;
	lr =	simm.s32 $0x1  }
0x2: {  	[smem:$0x3F9D] =	sst lr;
	_ =	strace $0xD0000000  }
0x3: {  	_ = 	snop  }
0x4: {  	_ = 	snop  }
0x5: {  	_ = 	snop  }
0x6: {  	_ = 	snop  }
0x7: {  	_ = 	snop  }
__scs_overlays_trampoline_lowered:
0x8: {  	[smem:$0x3FAC] =	sst s0  }
0x9: {  	[smem:$0x3FAD] =	sst s1  }
0xa: {  	[smem:$0x3FAE] =	sst s2  }
0xb: {  	[smem:$0x3FAF] =	sst s3  }
0xc: {  	[smem:$0x3FB0] =	sst s4  }
0xd: {  	[smem:$0x3FB1] =	sst s5  }
0xe: {  	[smem:$0x3FB2] =	sst s6  }
0xf: {  	[smem:$0x3FB3] =	sst s7  }
0x10: {  	[smem:$0x3FB4] =	sst s8  }
0x11: {  	[smem:$0x3FB5] =	sst s9;
	s0 =	simm.s32 @!p0 $0x0  }
0x12: {  	s1 =	sld [smem:$0x3F9B];
	s0 =	simm.s32 @p0 $0x1  }
0x13: {  	[smem:$0x3FB6] =	sst s0;
	s0 =	simm.s32 @!p1 $0x0  }
0x14: {  	s2 =	sld [smem:$0x3F9A];
	s0 =	simm.s32 @p1 $0x1  }
0x15: {  	[smem:$0x3FB7] =	sst s0;
	s0 =	simm.s32 @!p2 $0x0  }
0x16: {  	s3 =	sld [smem:$0x3FDB];
	s0 =	simm.s32 @p2 $0x1  }
0x17: {  	s4 =	simm.s32 $0x1BF5;
	[smem:$0x3FB9] =	sst s0  }
0x18: {  	s0 =	sld [smem:$0x3F9C];
	_ =	swait.ge [sflag:s4], $0x0  }
0x19: {  	s7 =	sld [smem:$0x3F9D]  }
0x1a: {  	s8 =	sadd.s32 $0xFFFFE003, lr  }
0x1b: {  	s9 =	sadd.s32 $0xFFFFFEF7, lr;
	s5 =	simm.s32 $0xFFFFFFFF;
	p2 =	slt.u32 s8, $0xFFFFF086  }
0x1c: {  	p1 =	slt.u32 s9, $0xF7A;
	s5 =	simm.s32 @!p2 $0x0  }
0x1d: {  	s5 =	simm.s32 @p1 $0x1;
	p0 =	seq.s32 s7, s2  }
0x1e: {  	s7 =	smul.u32 @!p0 $0xF7A, s2;
	p2 =	seq.s32 @!p0 s5, $0x0  }
0x1f: {  	s9 =	smul.u32 $0xF7A, s1;
	s8 =	simm.s32 @!p0 $0x1BF5;
	p2 =	por !p2, p0  }
0x20: {  	[sflag:s8] =	ssyncset.s32 @!p0 $0xFFFFF086;
	s6 =	sadd.s32 @!p0 s3, s7;
	s7 =	simm.s32 @!p0 $0x108  }
0x21: {  	s3 =	sadd.s32 s3, s9;
	s6 =	sadd.s32 @!p0 $0x88, s6;
	s7 =	simm.s32 @p2 $0x1082  }
0x22: {  	[simem:s7], [sflag:s8] =	dma.local @!p0 [hbm:s6], $0xF7A  }
0x23: {  	s9 =	sor.u32 $0xD0000000, s2;
	s6 =	simm.s32 $0x108;
	_ =	swait.ge @!p0 [sflag:s8], $0x0  }
0x24: {  	s3 =	sadd.s32 $0x88, s3;
	s6 =	simm.s32 @!p1 $0x1082;
	[sflag:s4] =	ssyncset.s32 $0xFFFFF086  }
0x25: {  	[simem:s6], [sflag:s4] =	dma.local [hbm:s3], $0xF7A  }
0x26: {  	[smem:$0x3F9D] =	sst s1;
	(tag) =	ssettag s2;
	_ =	strace s9  }
0x27: {  	s1 =	sld [smem:$0x3FAD]  }
0x28: {  	s2 =	sld [smem:$0x3FAE]  }
0x29: {  	s4 =	sld [smem:$0x3FB0]  }
0x2a: {  	p0 =	seq.s32 s5, $0x0;
	s5 =	sld [smem:$0x3FB1]  }
0x2b: {  	s6 =	sld [smem:$0x3FB2]  }
0x2c: {  	s7 =	sld [smem:$0x3FB3]  }
0x2d: {  	s3 =	simm.s32 $0x108;
	s8 =	sld [smem:$0x3FB4]  }
0x2e: {  	s3 =	simm.s32 @!p0 $0x1082;
	s9 =	sld [smem:$0x3FB5]  }
0x2f: {  	lr =	sadd.s32 s0, s3;
	s0 =	sld [smem:$0x3FAC]  }
0x30: {  	s3 =	sld [smem:$0x3FAF]  }
0x31: {  	[smem:$0x3FB8] =	sst s10  }
0x32: {  	s10 =	sld [smem:$0x3FB6];
	_ =	sdelay $0x3  }
0x33: {  	p0 =	seq.s32 s10, $0x1;
	s10 =	sld [smem:$0x3FB8];
	_ =	sdelay $0x3  }
0x34: {  	[smem:$0x3FB8] =	sst s10  }
0x35: {  	s10 =	sld [smem:$0x3FB7];
	_ =	sdelay $0x3  }
0x36: {  	p1 =	seq.s32 s10, $0x1;
	s10 =	sld [smem:$0x3FB8];
	_ =	sdelay $0x3  }
0x37: {  	[smem:$0x3FB8] =	sst s10  }
0x38: {  	s10 =	sld [smem:$0x3FB9]  }
0x39: {  	_ = 	snop;
	(pc) =	sbr.ind lr, $3  }
0x3a: {  	_ = 	snop  }
0x3b: {  	_ = 	snop  }
0x3c: {  	p2 =	seq.s32 s10, $0x1;
	s10 =	sld [smem:$0x3FB8]  }
0x3d: {  	_ =	shalt  }
0x3e: {  	_ =	shalt  }
0x3f: {  	_ =	shalt  }
0x40: {  	_ =	shalt  }
0x41: {  	_ =	shalt  }
0x42: {  	_ =	shalt  }
0x43: {  	_ =	shalt  }
0x44: {  	_ =	shalt  }
0x45: {  	_ =	shalt  }
0x46: {  	_ =	shalt  }
0x47: {  	_ =	shalt  }
0x48: {  	_ =	shalt  }
0x49: {  	_ =	shalt  }
0x4a: {  	_ =	shalt  }
0x4b: {  	_ =	shalt  }
0x4c: {  	_ =	shalt  }
0x4d: {  	_ =	shalt  }
0x4e: {  	_ =	shalt  }
0x4f: {  	_ =	shalt  }
0x50: {  	_ =	shalt  }
0x51: {  	_ =	shalt  }
0x52: {  	_ =	shalt  }
0x53: {  	_ =	shalt  }
0x54: {  	_ =	shalt  }
0x55: {  	_ =	shalt  }
0x56: {  	_ =	shalt  }
0x57: {  	_ =	shalt  }
0x58: {  	_ =	shalt  }
0x59: {  	_ =	shalt  }
0x5a: {  	_ =	shalt  }
0x5b: {  	_ =	shalt  }
0x5c: {  	_ =	shalt  }
0x5d: {  	_ =	shalt  }
0x5e: {  	_ =	shalt  }
0x5f: {  	_ =	shalt  }
0x60: {  	_ =	shalt  }
0x61: {  	_ =	shalt  }
0x62: {  	_ =	shalt  }
0x63: {  	_ =	shalt  }
0x64: {  	_ =	shalt  }
0x65: {  	_ =	shalt  }
0x66: {  	_ =	shalt  }
0x67: {  	_ =	shalt  }
0x68: {  	_ =	shalt  }
0x69: {  	_ =	shalt  }
0x6a: {  	_ =	shalt  }
0x6b: {  	_ =	shalt  }
0x6c: {  	_ =	shalt  }
0x6d: {  	_ =	shalt  }
0x6e: {  	_ =	shalt  }
0x6f: {  	_ =	shalt  }
0x70: {  	_ =	shalt  }
0x71: {  	_ =	shalt  }
0x72: {  	_ =	shalt  }
0x73: {  	_ =	shalt  }
0x74: {  	_ =	shalt  }
0x75: {  	_ =	shalt  }
0x76: {  	_ =	shalt  }
0x77: {  	_ =	shalt  }
0x78: {  	_ =	shalt  }
0x79: {  	_ =	shalt  }
0x7a: {  	_ =	shalt  }
0x7b: {  	_ =	shalt  }
0x7c: {  	_ =	shalt  }
0x7d: {  	_ =	shalt  }
0x7e: {  	_ =	shalt  }
0x7f: {  	_ =	shalt  }
0x80: {  	_ =	shalt  }
0x81: {  	_ =	shalt  }
0x82: {  	_ =	shalt  }
0x83: {  	_ =	shalt  }
0x84: {  	_ =	shalt  }
0x85: {  	_ =	shalt  }
0x86: {  	_ =	shalt  }
0x87: {  	_ =	shalt  }
.Lfunc_end0:
.L_simem_size_0:
called_computation_lowered:
.L_overlay_start_0:
0x88: {  	s2 =	sld [smem:$0x3FD9]  }
0x89: {  	s3 =	sld [smem:$0x3FFE];
	_ =	sdelay $0x1  }
0x8a: {  	s1 =	srdreg.scid  }
0x8b: {  	s0 =	sand.u32 $0x1, s1  }
0x8c: {  	s16 =	sshll.u32 s0, $0xA;
	s2 =	sadd.s32 s3, s2  }
0x8d: {  	s2 =	sadd.s32 s2, s16  }
0x8e: {  	[smem:$0x3FC4] =	sst s2  }
0x8f: {  	_ = 	snop  }
0x90: {  	(tm) =	ssettm $0x1  }
0x91: {  	s17 =	sld [smem:$0x3FFB];
	_ =	sdelay $0x3  }
0x92: {  	_ =	strace s17  }
0x93: {  	s2 =	sld [smem:$0x3FFC];
	_ =	sdelay $0x3  }
0x94: {  	_ =	strace s2  }
0x95: {  	s2 =	sld [smem:$0x3FFD];
	_ =	sdelay $0x3  }
0x96: {  	_ =	strace s2  }
0x97: {  	_ =	strace $0x8FFFFFFF  }
0x98: {  	s18 =	sld [smem:$0x3FDB];
	_ =	sdelay $0x1  }
0x99: {  	s19 =	simm.s32 $_scs_section_size  }
0x9a: {  	s4 =	simm.s32 $_size__tile_overlayer_lowered;
	s5 =	simm.s32 $_tile_overlayer_lowered  }
0x9b: {  	s22 =	simm.s32 $0x1BFF;
	s21 =	sshll.u32 s5, $0x1;
	s2 =	sadd.s32 s19, s18  }
0x9c: {  	s6 =	simm.s32 $0x0;
	s20 =	sshll.u32 s4, $0x1;
	s4 =	sadd.s32 s21, s2  }
0x9d: {  	[timem:s6], [sflag:s22] =	dma.local [hbm:s4], s20  }
0x9e: {  	_ =	swait.ge [sflag:s22], s20  }
0x9f: {  	s3 =	ssub.s32 $0x0, s20;
	[sflag:s22] =	ssyncset.done $0x0  }
0xa0: {  	[sflag:s22] =	ssyncadd.s32 s3;
	_ =	sdelay $0x1  }
0xa1: {  	s23 =	simm.s32 $0x1B8B  }
0xa2: {  	_ =	swait.ge [sflag:s23], $0x1  }
0xa3: {  	[sflag:s23] =	ssyncset.done $0x0  }
0xa4: {  	s25 =	simm.s32 $0x1B8E;
	s24 =	sld [smem:$0x3FFE];
	[sflag:s23] =	ssyncadd.s32 $0xFFFFFFFF  }
0xa5: {  	s26 =	simm.s32 $execute0_lowered;
	[smem:$0x3FD2] =	sst s25  }
0xa6: {  	s4 =	sshll.u32 s26, $0x1;
	_ =	strace $0x80000046;
	[dreg:$0x1] =	wrdreg $0xFFFFFFFF  }
0xa7: {  	s28 =	simm.s32 $_size_execute0_lowered;
	s2 =	sadd.s32 s2, s4;
	[dreg:$0x0] =	wrdreg $0x0  }
0xa8: {  	s4 =	sshll.u32 s28, $0x1;
	[dreg:$0x2] =	wrdreg s2  }
0xa9: {  	[dreg:$0x3] =	wrdreg s4  }
0xaa: {  	[dreg:$0x4] =	wrdreg $0xC0  }
0xab: {  	_ =	task [dreg:s6], $0x5FFFF  }
0xac: {  	[dreg:$0x1] =	wrdreg $0xFFFFFFFF  }
0xad: {  	[dreg:$0x0] =	wrdreg $0x60  }
0xae: {  	[dreg:$0x2] =	wrdreg s24  }
0xaf: {  	[dreg:$0x3] =	wrdreg $0x129000  }
0xb0: {  	[dreg:$0x4] =	wrdreg $0x9  }
0xb1: {  	_ =	task.clear_ibuf [dreg:s6], $0x5FFFF;
	_ =	strace $0x90000046  }
0xb2: {  	s29 =	simm.s32 $0x9;
	_ =	strace $0x80000048  }
0xb3: {  	_ =	swait.ge [sflag:s29], $0x1  }
0xb4: {  	[sflag:s29] =	ssyncadd.s32 $0xFFFFFFFF  }
0xb5: {  	_ =	strace $0x90000048  }
0xb6: {  	_ =	sfence  }
0xb7: {  	s30 =	sld [smem:$0x0];
	_ =	sdelay $0x2  }
0xb8: {  	s31 =	sshll.u32 s1, $0xD;
	s1 =	sshrl.u32 s1, $0x2  }
0xb9: {  	s3 =	sand.u32 $0x4000, s31;
	s1 =	sadd.s32 s1, s30  }
0xba: {  	s0 =	sor.u32 s3, s0;
	s1 =	sshll.u32 s1, $0x11  }
0xbb: {  	s0 =	sor.u32 s1, s0  }
0xbc: {  	s0 =	sadd.s32 $0x8F2B, s0  }
0xbd: {  	[sflag:s0] =	ssyncadd.remote.s32 $0x1  }
0xbe: {  	_ =	sfence.sel $0xFFFF  }
0xbf: {  	[dreg:$0x0] =	wrdreg $0xFFFFFFFF;
	(pc) =	sbr.abs _section_cstart, $3  }
0xc0: {  	[dreg:$0x1] =	wrdreg $0xFFFFFFFF  }
0xc1: {  	_ =	task.clear_ibuf [dreg:s6], $0x2FFFF;
	_ =	strace $0x9FFFFFFF  }
0xc2: {  	(tm) =	ssettm $0x7FFFFFFF  }
0xc3: {  	_ =	shalt  }
tec
execute0_lowered:
.L_overlay_start_1:
0x0: {  	(tag) =	ssettag $0x1  }
0x1: {  	s6 =	rddreg [dreg:$0x0]  }
0x2: {  	s0 =	srdreg.scid;
	s1 =	rddreg [dreg:$0x1]  }
0x3: {  	s9 =	stileid.u32;
	s2 =	simm.s32 $0x0;
	s12 =	simm.s32 $0x128E0  }
0x4: {  	s13 =	simm.s32 $0x1;
	s14 =	simm.s32 $0x3;
	s15 =	simm.s32 $0xEA60  }
0x5: {  	s16 =	simm.s32 $0xFA00;
	s17 =	simm.s32 $0x2;
	s18 =	simm.s32 $0x109A0  }
0x6: {  	s19 =	simm.s32 $0x11940;
	s4 =	sand.u32 $0x1, s0;
	s0 =	rddreg [dreg:$0x2]  }
0x7: {  	s20 =	simm.s32 $0x128F0;
	s21 =	simm.s32 $0x0;
	[smem:$0x7FF] =	sst s2  }
0x8: {  	s10 =	smul.u32 $0x4E2, s9;
	p0 =	sne.s32 s9, $0x0;
	s3 =	sshll.u32 s4, $0x4  }
0x9: {  	_ =	strace $0x80000047;
	s4 =	ssub.s32 $0x2, s4;
	s5 =	sor.u32 s9, s3  }
0xa: {  	s8 =	sshrl.u32 s4, $0x1;
	s3 =	smul.u32 $0x1388, s5;
	s5 =	sshll.u32 s5, $0x1  }
0xb: {  	s9 =	simm.s32 $0x9C40;
	s8 =	ssub.s32 s4, s8;
	s11 =	sadd.s32 s5, s6  }
0xc: {  	s8 =	smax.u32 s8, $0x1;
	s7 =	sadd.s32 s3, s6;
	s3 =	sadd.s32 $0x27A00, s6  }
0xd: {  	s6 =	sadd.s32 $0x2C820, s6;
	s4 =	sadd.s32 $0x800, s7;
	s5 =	sadd.s32 s3, s10  }
0xe: {  	v0 =	vimm.f32 $1.000000000e+00;
	v1 =	vimm.f32 $0.0e+00;
	vm0 =	vmmov $0xffff;
	s7 =	sadd.s32 $0x31800, s11;
	s10 =	simm.s32 $0x4;
	s11 =	simm.s32 $0xC350  }
.LBB2_1:
.Ltmp0:
0xf: {  	(pc) =	sbr.rel @p0 .LBB2_5-.Ltmp0, $3  }
0x10: {  	_ =	sdelay $0x1  }
0x11: {  	[tilespmem:$0x128E0] =	vst v0  }
0x12: {  	[tilespmem:s2], [sflag:$0x3] =	stream.linear.gather [hbm4b:s4+s2], $0x9C40, $0x38;
	[tilespmem:$0x12B78] =	vst v63  }
0x13: {  	s22 =	simm.s32 $0x40;
	s23 =	simm.s32 $0x0  }
.LBB2_3:
0x14: {  	p1 =	sne.s32 s22, $0x9C00;
	[tilespmem:s23+$0x9C40] =	vst v1;
	s23 =	smov.u32 s22;
	s22 =	sadd.s32 $0x40, s22  }
.Ltmp1:
0x15: {  	(pc) =	sbr.rel @p1 .LBB2_3-.Ltmp1, $2  }
0x16: {  	_ =	sdelay $0x2  }
0x17: {  	s23 =	sshra.s32 s23, $0x2  }
0x18: {  	[tilespmem:s23+$0x9C40] =	vst v1  }
0x19: {  	[spmem:s1] =	stream.linear.scatter [tilespmem:s9], [sflag:$0x4], $0x2710, $0x38;
	[tilespmem:$0x12B78] =	vst v63  }
0x1a: {  	_ =	swait.ge [sflag:s10], $0x2710  }
0x1b: {  	[sflag:s10] =	ssyncset.done $0x0  }
0x1c: {  	[sflag:s10] =	ssyncadd.s32 $0xFFFFD8F0  }
.LBB2_5:
0x1d: {  	s22 =	simm.s32 $0x0  }
0x1e: {  	[tilespmem:s11], [sflag:$0x4] =	stream.linear.gather [hbm4b:s5+s22], $0x2710, $0x38;
	[tilespmem:$0x12B78] =	vst v63  }
0x1f: {  	_ =	swait.ge [sflag:s10], $0x2710  }
0x20: {  	[sflag:s10] =	ssyncset.done $0x0  }
0x21: {  	[sflag:s10] =	ssyncadd.s32 $0xFFFFD8F0  }
0x22: {  	[bflag:$0x0] =	sbarrier.arrive $0xFFFF  }
.LBB2_6:
0x23: {  	s23 =	sshra.s32 s22, $0x2  }
0x24: {  	v2 =	vld [tilespmem:s23+$0xC350];
	_ =	sdelay $0x7  }
0x25: {  	[spmem:s1] =	stream.indirect_vreg.scatter.add.f32 [tilespmem:s12], [sflag:$0x1], $0x1, v2, vm0, $0xb8;
	[tilespmem:$0x12B78] =	vst v63  }
0x26: {  	v2 =	vld [tilespmem:s23+$0xC360];
	_ =	sdelay $0x7  }
0x27: {  	[spmem:s1] =	stream.indirect_vreg.scatter.add.f32 [tilespmem:s12], [sflag:$0x1], $0x1, v2, vm0, $0xb8;
	[tilespmem:$0x12B78] =	vst v63  }
0x28: {  	v2 =	vld [tilespmem:s23+$0xC370];
	_ =	sdelay $0x7  }
0x29: {  	[spmem:s1] =	stream.indirect_vreg.scatter.add.f32 [tilespmem:s12], [sflag:$0x1], $0x1, v2, vm0, $0xb8;
	[tilespmem:$0x12B78] =	vst v63  }
0x2a: {  	v2 =	vld [tilespmem:s23+$0xC380];
	_ =	sdelay $0x7  }
0x2b: {  	[spmem:s1] =	stream.indirect_vreg.scatter.add.f32 [tilespmem:s12], [sflag:$0x1], $0x1, v2, vm0, $0xb8;
	[tilespmem:$0x12B78] =	vst v63  }
0x2c: {  	v2 =	vld [tilespmem:s23+$0xC390];
	_ =	sdelay $0x7  }
0x2d: {  	[spmem:s1] =	stream.indirect_vreg.scatter.add.f32 [tilespmem:s12], [sflag:$0x1], $0x1, v2, vm0, $0xb8;
	[tilespmem:$0x12B78] =	vst v63  }
0x2e: {  	v2 =	vld [tilespmem:s23+$0xC3A0];
	_ =	sdelay $0x7  }
0x2f: {  	[spmem:s1] =	stream.indirect_vreg.scatter.add.f32 [tilespmem:s12], [sflag:$0x1], $0x1, v2, vm0, $0xb8;
	[tilespmem:$0x12B78] =	vst v63  }
0x30: {  	v2 =	vld [tilespmem:s23+$0xC3B0];
	_ =	sdelay $0x7  }
0x31: {  	[spmem:s1] =	stream.indirect_vreg.scatter.add.f32 [tilespmem:s12], [sflag:$0x1], $0x1, v2, vm0, $0xb8;
	[tilespmem:$0x12B78] =	vst v63  }
0x32: {  	v2 =	vld [tilespmem:s23+$0xC3C0];
	_ =	sdelay $0x7  }
0x33: {  	[spmem:s1] =	stream.indirect_vreg.scatter.add.f32 [tilespmem:s12], [sflag:$0x1], $0x1, v2, vm0, $0xb8;
	[tilespmem:$0x12B78] =	vst v63  }
0x34: {  	v2 =	vld [tilespmem:s23+$0xC3D0];
	_ =	sdelay $0x7  }
0x35: {  	[spmem:s1] =	stream.indirect_vreg.scatter.add.f32 [tilespmem:s12], [sflag:$0x1], $0x1, v2, vm0, $0xb8;
	[tilespmem:$0x12B78] =	vst v63  }
0x36: {  	v2 =	vld [tilespmem:s23+$0xC3E0];
	_ =	sdelay $0x7  }
0x37: {  	[spmem:s1] =	stream.indirect_vreg.scatter.add.f32 [tilespmem:s12], [sflag:$0x1], $0x1, v2, vm0, $0xb8;
	[tilespmem:$0x12B78] =	vst v63  }
0x38: {  	v2 =	vld [tilespmem:s23+$0xC3F0];
	_ =	sdelay $0x7  }
0x39: {  	[spmem:s1] =	stream.indirect_vreg.scatter.add.f32 [tilespmem:s12], [sflag:$0x1], $0x1, v2, vm0, $0xb8;
	[tilespmem:$0x12B78] =	vst v63  }
0x3a: {  	v2 =	vld [tilespmem:s23+$0xC400];
	_ =	sdelay $0x7  }
0x3b: {  	[spmem:s1] =	stream.indirect_vreg.scatter.add.f32 [tilespmem:s12], [sflag:$0x1], $0x1, v2, vm0, $0xb8;
	[tilespmem:$0x12B78] =	vst v63  }
0x3c: {  	v2 =	vld [tilespmem:s23+$0xC410];
	_ =	sdelay $0x7  }
0x3d: {  	[spmem:s1] =	stream.indirect_vreg.scatter.add.f32 [tilespmem:s12], [sflag:$0x1], $0x1, v2, vm0, $0xb8;
	[tilespmem:$0x12B78] =	vst v63  }
0x3e: {  	v2 =	vld [tilespmem:s23+$0xC420];
	_ =	sdelay $0x7  }
0x3f: {  	[spmem:s1] =	stream.indirect_vreg.scatter.add.f32 [tilespmem:s12], [sflag:$0x1], $0x1, v2, vm0, $0xb8;
	[tilespmem:$0x12B78] =	vst v63  }
0x40: {  	v2 =	vld [tilespmem:s23+$0xC430];
	_ =	sdelay $0x7  }
0x41: {  	[spmem:s1] =	stream.indirect_vreg.scatter.add.f32 [tilespmem:s12], [sflag:$0x1], $0x1, v2, vm0, $0xb8;
	[tilespmem:$0x12B78] =	vst v63  }
0x42: {  	v2 =	vld [tilespmem:s23+$0xC440];
	_ =	sdelay $0x7  }
0x43: {  	[spmem:s1] =	stream.indirect_vreg.scatter.add.f32 [tilespmem:s12], [sflag:$0x1], $0x1, v2, vm0, $0xb8;
	[tilespmem:$0x12B78] =	vst v63  }
0x44: {  	v2 =	vld [tilespmem:s23+$0xC450];
	_ =	sdelay $0x7  }
0x45: {  	[spmem:s1] =	stream.indirect_vreg.scatter.add.f32 [tilespmem:s12], [sflag:$0x1], $0x1, v2, vm0, $0xb8;
	[tilespmem:$0x12B78] =	vst v63  }
0x46: {  	v2 =	vld [tilespmem:s23+$0xC460];
	_ =	sdelay $0x7  }
0x47: {  	[spmem:s1] =	stream.indirect_vreg.scatter.add.f32 [tilespmem:s12], [sflag:$0x1], $0x1, v2, vm0, $0xb8;
	[tilespmem:$0x12B78] =	vst v63  }
0x48: {  	v2 =	vld [tilespmem:s23+$0xC470];
	_ =	sdelay $0x7  }
0x49: {  	[spmem:s1] =	stream.indirect_vreg.scatter.add.f32 [tilespmem:s12], [sflag:$0x1], $0x1, v2, vm0, $0xb8;
	[tilespmem:$0x12B78] =	vst v63  }
0x4a: {  	v2 =	vld [tilespmem:s23+$0xC480];
	_ =	sdelay $0x7  }
0x4b: {  	[spmem:s1] =	stream.indirect_vreg.scatter.add.f32 [tilespmem:s12], [sflag:$0x1], $0x1, v2, vm0, $0xb8;
	[tilespmem:$0x12B78] =	vst v63  }
0x4c: {  	v2 =	vld [tilespmem:s23+$0xC490];
	_ =	sdelay $0x7  }
0x4d: {  	[spmem:s1] =	stream.indirect_vreg.scatter.add.f32 [tilespmem:s12], [sflag:$0x1], $0x1, v2, vm0, $0xb8;
	[tilespmem:$0x12B78] =	vst v63  }
0x4e: {  	v2 =	vld [tilespmem:s23+$0xC4A0];
	_ =	sdelay $0x7  }
0x4f: {  	[spmem:s1] =	stream.indirect_vreg.scatter.add.f32 [tilespmem:s12], [sflag:$0x1], $0x1, v2, vm0, $0xb8;
	[tilespmem:$0x12B78] =	vst v63  }
0x50: {  	v2 =	vld [tilespmem:s23+$0xC4B0];
	_ =	sdelay $0x7  }
0x51: {  	[spmem:s1] =	stream.indirect_vreg.scatter.add.f32 [tilespmem:s12], [sflag:$0x1], $0x1, v2, vm0, $0xb8;
	[tilespmem:$0x12B78] =	vst v63  }
0x52: {  	v2 =	vld [tilespmem:s23+$0xC4C0];
	_ =	sdelay $0x7  }
0x53: {  	[spmem:s1] =	stream.indirect_vreg.scatter.add.f32 [tilespmem:s12], [sflag:$0x1], $0x1, v2, vm0, $0xb8;
	[tilespmem:$0x12B78] =	vst v63  }
0x54: {  	v2 =	vld [tilespmem:s23+$0xC4D0];
	_ =	sdelay $0x5  }
0x55: {  	p1 =	sne.s32 s22, $0x9600  }
.Ltmp2:
0x56: {  	_ = 	snop;
	(pc) =	sbr.rel @p1 .LBB2_6-.Ltmp2, $4  }
0x57: {  	[spmem:s1] =	stream.indirect_vreg.scatter.add.f32 [tilespmem:s12], [sflag:$0x1], $0x1, v2, vm0, $0xb8;
	[tilespmem:$0x12B78] =	vst v63  }
0x58: {  	_ =	swait.ge [sflag:s13], $0x190  }
0x59: {  	[sflag:s13] =	ssyncset.done $0x0  }
0x5a: {  	s22 =	sadd.s32 $0x640, s22;
	[sflag:s13] =	ssyncadd.s32 $0xFFFFFE70  }
0x5b: {  	[bflag:$0x0] =	sbarrier.arrive $0xFFFF  }
0x5c: {  	[tilespmem:s9], [sflag:$0x4] =	stream.linear.gather [spmem:s1], $0x2710, $0x38;
	[tilespmem:$0x12B78] =	vst v63  }
0x5d: {  	_ =	swait.ge [sflag:s10], $0x2710  }
0x5e: {  	[sflag:s10] =	ssyncset.done $0x0  }
0x5f: {  	s22 =	simm.s32 $0x0;
	s23 =	simm.s32 $0x40;
	[sflag:s10] =	ssyncadd.s32 $0xFFFFD8F0  }
.LBB2_8:
0x60: {  	p1 =	sne.s32 s23, $0x9C00;
	v2 =	vld [tilespmem:s22+$0x9C40];
	_ =	sdelay $0x4  }
0x61: {  	v3 =	vshrl.u32 v2, $0x1;
	v4 =	vmul.f32 $5.000000000e-01, v2  }
0x62: {  	v3 =	vsub.s32 $0x5F3759DF, v3  }
0x63: {  	v5 =	vmul.f32 v3, v4;
	_ =	sdelay $0x1  }
0x64: {  	v5 =	vmul.f32 v3, v5;
	_ =	sdelay $0x1  }
0x65: {  	v5 =	vsub.f32 $1.500000000e+00, v5;
	_ =	sdelay $0x1  }
0x66: {  	v3 =	vmul.f32 v3, v5;
	_ =	sdelay $0x1  }
0x67: {  	v5 =	vmul.f32 v3, v4;
	_ =	sdelay $0x1  }
0x68: {  	v5 =	vmul.f32 v5, v3;
	_ =	sdelay $0x1  }
0x69: {  	v5 =	vsub.f32 $1.500000000e+00, v5;
	_ =	sdelay $0x1  }
0x6a: {  	v3 =	vmul.f32 v5, v3;
	_ =	sdelay $0x1  }
0x6b: {  	v4 =	vmul.f32 v3, v4;
	_ =	sdelay $0x1  }
0x6c: {  	v4 =	vmul.f32 v4, v3;
	_ =	sdelay $0x1  }
0x6d: {  	v4 =	vsub.f32 $1.500000000e+00, v4  }
.Ltmp3:
0x6e: {  	(pc) =	sbr.rel @p1 .LBB2_8-.Ltmp3, $4  }
0x6f: {  	v3 =	vmul.f32 v4, v3  }
0x70: {  	vm1 =	vgt.f32 v2, $0.0e+00  }
0x71: {  	v2 =	vnsel vm1, $0x0, v3  }
0x72: {  	[tilespmem:s22+$0x9C40] =	vst v2;
	s22 =	sshra.s32 s23, $0x2;
	s23 =	sadd.s32 $0x40, s23  }
0x73: {  	v2 =	vld [tilespmem:s22+$0x9C40];
	_ =	sdelay $0x4  }
0x74: {  	v3 =	vshrl.u32 v2, $0x1;
	v4 =	vmul.f32 $5.000000000e-01, v2  }
0x75: {  	v3 =	vsub.s32 $0x5F3759DF, v3  }
0x76: {  	v5 =	vmul.f32 v3, v4;
	_ =	sdelay $0x1  }
0x77: {  	v5 =	vmul.f32 v3, v5;
	_ =	sdelay $0x1  }
0x78: {  	v5 =	vsub.f32 $1.500000000e+00, v5;
	_ =	sdelay $0x1  }
0x79: {  	v3 =	vmul.f32 v3, v5;
	_ =	sdelay $0x1  }
0x7a: {  	v5 =	vmul.f32 v3, v4;
	_ =	sdelay $0x1  }
0x7b: {  	v5 =	vmul.f32 v5, v3;
	_ =	sdelay $0x1  }
0x7c: {  	v5 =	vsub.f32 $1.500000000e+00, v5;
	_ =	sdelay $0x1  }
0x7d: {  	v3 =	vmul.f32 v5, v3;
	_ =	sdelay $0x1  }
0x7e: {  	v4 =	vmul.f32 v3, v4;
	_ =	sdelay $0x1  }
0x7f: {  	v4 =	vmul.f32 v4, v3;
	_ =	sdelay $0x1  }
0x80: {  	v4 =	vsub.f32 $1.500000000e+00, v4;
	_ =	sdelay $0x1  }
0x81: {  	v3 =	vmul.f32 v4, v3  }
0x82: {  	vm1 =	vgt.f32 v2, $0.0e+00  }
0x83: {  	v2 =	vnsel vm1, $0x0, v3  }
0x84: {  	[tilespmem:s22+$0x9C40] =	vst v2  }
0x85: {  	_ =	swait.ge [sflag:s14], $0x9C40  }
0x86: {  	[sflag:s14] =	ssyncset.done $0x0  }
0x87: {  	s22 =	simm.s32 $0x0;
	[sflag:s14] =	ssyncadd.s32 $0xFFFF63C0  }
0x88: {  	[tilespmem:s15], [sflag:$0x2] =	stream.linear.gather [hbm4b:s3+s22], $0xFA0, $0x38;
	[tilespmem:$0x12B78] =	vst v63  }
0x89: {  	_ = 	snop  }
0x8a: {  	v3 =	vimm.f32 $0.0e+00;
	v2 =	vimm.f32 $0.0e+00;
	[tilespmem:s16], [sflag:$0x2] =	stream.linear.gather [hbm4b:s6+s22], $0xFA0, $0x38;
	[tilespmem:$0x12B78] =	vst v63  }
.LBB2_10:
0x8b: {  	_ =	swait.ge [sflag:s17], $0xFA0  }
0x8c: {  	s23 =	smul.u32 $0x1F40, s22;
	[sflag:s17] =	ssyncset.done $0x0  }
0x8d: {  	[sflag:s17] =	ssyncadd.s32 $0xFFFFF060  }
0x8e: {  	s24 =	sshrl.u32 s23, $0x3;
	_ =	swait.ge [sflag:s17], $0xFA0  }
0x8f: {  	s24 =	sadd.s32 s3, s24;
	[sflag:s17] =	ssyncset.done $0x0  }
0x90: {  	s25 =	sadd.s32 $0x1F4, s24;
	[sflag:s17] =	ssyncadd.s32 $0xFFFFF060  }
0x91: {  	[tilespmem:s18], [sflag:$0x3] =	stream.linear.gather [hbm4b:s25+s2], $0xFA0, $0x38;
	[tilespmem:$0x12B78] =	vst v63  }
0x92: {  	s30 =	simm.s32 $0xEA70;
	s24 =	sadd.s32 $0x5014, s24  }
0x93: {  	[tilespmem:s19], [sflag:$0x3] =	stream.linear.gather [hbm4b:s24+s2], $0xFA0, $0x38;
	[tilespmem:$0x12B78] =	vst v63  }
0x94: {  	s31 =	simm.s32 $0xFA10;
	v6 =	vld [tilespmem:s30+$0xFFFFFFF0]  }
0x95: {  	v9 =	vld [tilespmem:s31+$0xFFFFFFF0]  }
0x96: {  	v7 =	vld [tilespmem:s31+$0x0];
	_ =	sdelay $0x3  }
0x97: {  	v4 =	vadd.s32 $0x2710, v6  }
0x98: {  	v8 =	vld [tilespmem:s30+$0x0];
	v5 =	vadd.s32 $0x2710, v9  }
0x99: {  	v10 =	vadd.s32 $0x4E20, v6;
	v12 =	vld.idx.msk [tilespmem:v6+s2+$0x0], $0xffff  }
0x9a: {  	v11 =	vadd.s32 $0x7530, v6;
	v14 =	vld.idx.msk [tilespmem:v9+s2+$0x0], $0xffff  }
0x9b: {  	v13 =	vadd.s32 $0x4E20, v9;
	v20 =	vld.idx.msk [tilespmem:v7+s2+$0x0], $0xffff  }
0x9c: {  	v15 =	vadd.s32 $0x7530, v9;
	v4 =	vld.idx.msk [tilespmem:v4+s2+$0x0], $0xffff  }
0x9d: {  	v16 =	vadd.s32 $0x7530, v7;
	v5 =	vld.idx.msk [tilespmem:v5+s2+$0x0], $0xffff  }
0x9e: {  	v17 =	vadd.s32 $0x4E20, v7;
	v10 =	vld.idx.msk [tilespmem:v10+s2+$0x0], $0xffff  }
0x9f: {  	v18 =	vadd.s32 $0x2710, v7;
	v11 =	vld.idx.msk [tilespmem:v11+s2+$0x0], $0xffff  }
0xa0: {  	v13 =	vld.idx.msk [tilespmem:v13+s2+$0x0], $0xffff  }
0xa1: {  	v19 =	vadd.s32 $0x4E20, v8;
	v15 =	vld.idx.msk [tilespmem:v15+s2+$0x0], $0xffff  }
0xa2: {  	v21 =	vadd.s32 $0x2710, v8;
	v16 =	vld.idx.msk [tilespmem:v16+s2+$0x0], $0xffff  }
0xa3: {  	v22 =	vadd.s32 $0x7530, v8;
	v17 =	vld.idx.msk [tilespmem:v17+s2+$0x0], $0xffff  }
0xa4: {  	v12 =	vsub.bf16 v12, v14;
	v14 =	vld.idx.msk [tilespmem:v18+s2+$0x0], $0xffff;
	v4 =	vsub.bf16 v4, v5  }
0xa5: {  	v18 =	vld.idx.msk [tilespmem:v8+s2+$0x0], $0xffff  }
0xa6: {  	v5 =	vmul.bf16 v12, v12;
	v10 =	vsub.bf16 v10, v13;
	v12 =	vld.idx.msk [tilespmem:v19+s2+$0x0], $0xffff;
	v4 =	vmul.bf16 v4, v4  }
0xa7: {  	v13 =	vld.idx.msk [tilespmem:v21+s2+$0x0], $0xffff  }
0xa8: {  	s24 =	simm.s32 $0xEA90;
	v11 =	vsub.bf16 v11, v15;
	v15 =	vld.idx.msk [tilespmem:v22+s2+$0x0], $0xffff;
	v10 =	vmul.bf16 v10, v10;
	v19 =	vadd.bf16 v4, v5  }
0xa9: {  	s25 =	simm.s32 $0xFA30;
	v5 =	vld [tilespmem:s24+$0xFFFFFFF0]  }
0xaa: {  	v11 =	vmul.bf16 v11, v11;
	v4 =	vld [tilespmem:s25+$0xFFFFFFF0];
	v10 =	vadd.bf16 v10, v19  }
0xab: {  	v24 =	vld.idx.msk [tilespmem:v8+s9+$0x0], $0xffff  }
0xac: {  	v25 =	vld.idx.msk [tilespmem:v7+s9+$0x0], $0xffff;
	v8 =	vsub.bf16 v18, v20;
	v18 =	vadd.bf16 v11, v10  }
0xad: {  	v7 =	vld.idx.msk [tilespmem:v6+s9+$0x0], $0xffff;
	v10 =	vsub.bf16 v12, v17;
	v11 =	vsub.bf16 v13, v14  }
0xae: {  	v6 =	vld [tilespmem:s25+$0x0];
	v12 =	vmul.bf16 v8, v8;
	v14 =	vsub.bf16 v15, v16;
	v21 =	vadd.s32 $0x2710, v5  }
0xaf: {  	v8 =	vld [tilespmem:s24+$0x0];
	v17 =	vadd.s32 $0x7530, v5;
	v22 =	vadd.s32 $0x2710, v4;
	v19 =	vmul.bf16 v11, v11  }
0xb0: {  	v16 =	vadd.s32 $0x7530, v4;
	v23 =	vadd.s32 $0x4E20, v5;
	v20 =	vadd.s32 $0x4E20, v4;
	v11 =	vld.idx.msk [tilespmem:v9+s9+$0x0], $0xffff  }
0xb1: {  	v15 =	vmul.bf16 v10, v10;
	v13 =	vunpack.i.u.bf16.f32 v18;
	v10 =	vld.idx.msk [tilespmem:v5+s2+$0x0], $0xffff;
	v19 =	vadd.bf16 v19, v12  }
0xb2: {  	s26 =	simm.s32 $0x2;
	v14 =	vmul.bf16 v14, v14;
	v18 =	vunpack.i.l.bf16.f32 v18;
	v9 =	vmul.f32 v25, v24;
	v12 =	vld.idx.msk [tilespmem:v4+s2+$0x0], $0xffff  }
.LBB2_11:
0xb3: {  	s26 =	sadd.s32 $0x2, s26;
	v21 =	vld.idx.msk [tilespmem:v21+s2+$0x0], $0xffff;
	v24 =	vadd.s32 $0x2710, v6;
	v25 =	vadd.s32 $0x4E20, v6;
	v15 =	vadd.bf16 v15, v19  }
0xb4: {  	v26 =	vadd.s32 $0x7530, v6;
	p1 =	slt.u32 s26, $0xF8;
	v19 =	vld.idx.msk [tilespmem:v22+s2+$0x0], $0xffff;
	v22 =	vadd.s32 $0x2710, v8  }
0xb5: {  	v13 =	vadd.f32 v18, v13;
	v23 =	vld.idx.msk [tilespmem:v23+s2+$0x0], $0xffff;
	v14 =	vadd.bf16 v14, v15  }
0xb6: {  	v7 =	vmul.f32 v11, v7;
	v15 =	vld.idx.msk [tilespmem:v17+s2+$0x0], $0xffff;
	v17 =	vadd.s32 $0x4E20, v8  }
0xb7: {  	v18 =	vadd.s32 $0x7530, v8;
	v11 =	vld.idx.msk [tilespmem:v20+s2+$0x0], $0xffff;
	v20 =	vunpack.i.u.bf16.f32 v14;
	v14 =	vunpack.i.l.bf16.f32 v14  }
0xb8: {  	v10 =	vsub.bf16 v10, v12;
	v7 =	vmul.f32 v13, v7;
	v12 =	vld.idx.msk [tilespmem:v16+s2+$0x0], $0xffff;
	v13 =	vadd.f32 v14, v20  }
0xb9: {  	v14 =	vld.idx.msk [tilespmem:v6+s2+$0x0], $0xffff  }
0xba: {  	v16 =	vsub.bf16 v21, v19;
	v3 =	vadd.f32 v7, v3;
	v19 =	vld.idx.msk [tilespmem:v26+s2+$0x0], $0xffff;
	v7 =	vmul.f32 v13, v9  }
0xbb: {  	v9 =	vld.idx.msk [tilespmem:v25+s2+$0x0], $0xffff  }
0xbc: {  	v10 =	vmul.bf16 v10, v10;
	v13 =	vmul.bf16 v16, v16;
	v16 =	vld.idx.msk [tilespmem:v24+s2+$0x0], $0xffff;
	v3 =	vadd.f32 v7, v3  }
0xbd: {  	v7 =	vsub.bf16 v23, v11;
	v11 =	vld.idx.msk [tilespmem:v8+s2+$0x0], $0xffff  }
0xbe: {  	v10 =	vadd.bf16 v13, v10;
	v13 =	vld.idx.msk [tilespmem:v17+s2+$0x0], $0xffff  }
0xbf: {  	v7 =	vmul.bf16 v7, v7;
	v17 =	vld.idx.msk [tilespmem:v22+s2+$0x0], $0xffff  }
0xc0: {  	s24 =	sadd.s32 $0x20, s24;
	v12 =	vsub.bf16 v15, v12;
	v15 =	vld.idx.msk [tilespmem:v18+s2+$0x0], $0xffff  }
0xc1: {  	s25 =	sadd.s32 $0x20, s25;
	v18 =	vld [tilespmem:s24+$0xFFFFFFF0]  }
0xc2: {  	v7 =	vadd.bf16 v7, v10;
	v10 =	vmul.bf16 v12, v12;
	v24 =	vld [tilespmem:s25+$0xFFFFFFF0]  }
0xc3: {  	v25 =	vld.idx.msk [tilespmem:v8+s9+$0x0], $0xffff;
	v8 =	vsub.bf16 v11, v14  }
0xc4: {  	v26 =	vadd.bf16 v10, v7;
	v9 =	vsub.bf16 v13, v9;
	v27 =	vld.idx.msk [tilespmem:v6+s9+$0x0], $0xffff  }
0xc5: {  	v10 =	vsub.bf16 v17, v16;
	v7 =	vld.idx.msk [tilespmem:v5+s9+$0x0], $0xffff;
	v12 =	vmul.bf16 v8, v8  }
.Ltmp4:
0xc6: {  	v14 =	vsub.bf16 v15, v19;
	v21 =	vadd.s32 $0x2710, v18;
	v17 =	vadd.s32 $0x7530, v18;
	v6 =	vld [tilespmem:s25+$0x0];
	v5 =	vmovc v18;
	(pc) =	sbr.rel @p1 .LBB2_11-.Ltmp4, $4  }
0xc7: {  	v19 =	vmul.bf16 v10, v10;
	v22 =	vadd.s32 $0x2710, v24;
	v16 =	vadd.s32 $0x7530, v24;
	v8 =	vld [tilespmem:s24+$0x0]  }
0xc8: {  	v15 =	vmul.bf16 v9, v9;
	v23 =	vadd.s32 $0x4E20, v5;
	v20 =	vadd.s32 $0x4E20, v24;
	v11 =	vld.idx.msk [tilespmem:v4+s9+$0x0], $0xffff;
	v4 =	vmovc v24  }
0xc9: {  	v13 =	vunpack.i.u.bf16.f32 v26;
	v14 =	vmul.bf16 v14, v14;
	v19 =	vadd.bf16 v19, v12;
	v10 =	vld.idx.msk [tilespmem:v18+s2+$0x0], $0xffff  }
0xca: {  	v18 =	vunpack.i.l.bf16.f32 v26;
	v9 =	vmul.f32 v27, v25;
	v12 =	vld.idx.msk [tilespmem:v24+s2+$0x0], $0xffff  }
0xcb: {  	_ =	sdelay $0x3  }
0xcc: {  	v21 =	vld.idx.msk [tilespmem:v21+s2+$0x0], $0xffff  }
0xcd: {  	v22 =	vld.idx.msk [tilespmem:v22+s2+$0x0], $0xffff  }
0xce: {  	v23 =	vld.idx.msk [tilespmem:v23+s2+$0x0], $0xffff  }
0xcf: {  	v17 =	vld.idx.msk [tilespmem:v17+s2+$0x0], $0xffff  }
0xd0: {  	v20 =	vld.idx.msk [tilespmem:v20+s2+$0x0], $0xffff  }
0xd1: {  	v16 =	vld.idx.msk [tilespmem:v16+s2+$0x0], $0xffff  }
0xd2: {  	v28 =	vld.idx.msk [tilespmem:v6+s2+$0x0], $0xffff  }
0xd3: {  	v24 =	vadd.s32 $0x7530, v6;
	v25 =	vadd.s32 $0x4E20, v6;
	v26 =	vadd.s32 $0x2710, v6;
	v6 =	vld.idx.msk [tilespmem:v6+s9+$0x0], $0xffff  }
0xd4: {  	v5 =	vld.idx.msk [tilespmem:v5+s9+$0x0], $0xffff  }
0xd5: {  	v4 =	vld.idx.msk [tilespmem:v4+s9+$0x0], $0xffff  }
0xd6: {  	v27 =	vadd.s32 $0x4E20, v8;
	v31 =	vld.idx.msk [tilespmem:v8+s2+$0x0], $0xffff  }
0xd7: {  	v29 =	vadd.s32 $0x2710, v8;
	v30 =	vadd.s32 $0x7530, v8;
	v8 =	vld.idx.msk [tilespmem:v8+s9+$0x0], $0xffff  }
0xd8: {  	v24 =	vld.idx.msk [tilespmem:v24+s2+$0x0], $0xffff  }
0xd9: {  	v15 =	vadd.bf16 v15, v19;
	v25 =	vld.idx.msk [tilespmem:v25+s2+$0x0], $0xffff  }
0xda: {  	v26 =	vld.idx.msk [tilespmem:v26+s2+$0x0], $0xffff  }
0xdb: {  	v14 =	vadd.bf16 v14, v15;
	v27 =	vld.idx.msk [tilespmem:v27+s2+$0x0], $0xffff  }
0xdc: {  	v29 =	vld.idx.msk [tilespmem:v29+s2+$0x0], $0xffff  }
0xdd: {  	v13 =	vadd.f32 v18, v13;
	v7 =	vmul.f32 v11, v7;
	v11 =	vunpack.i.u.bf16.f32 v14;
	v30 =	vld.idx.msk [tilespmem:v30+s2+$0x0], $0xffff;
	_ =	swait.ge [sflag:s14], $0xFA0  }
0xde: {  	v10 =	vsub.bf16 v10, v12;
	v14 =	vunpack.i.l.bf16.f32 v14;
	v12 =	vsub.bf16 v21, v22;
	[sflag:s14] =	ssyncset.done $0x0  }
0xdf: {  	p1 =	seq.s32 s22, $0x13;
	v7 =	vmul.f32 v13, v7;
	v11 =	vadd.f32 v14, v11;
	[sflag:s14] =	ssyncadd.s32 $0xFFFFF060  }
0xe0: {  	s23 =	sshrl.u32 @!p1 s23, $0x3;
	v14 =	vsub.bf16 v23, v20;
	v10 =	vmul.bf16 v10, v10;
	v12 =	vmul.bf16 v12, v12;
	_ =	swait.ge [sflag:s14], $0xFA0  }
0xe1: {  	s25 =	simm.s32 @!p1 $0x0;
	s23 =	sadd.s32 @!p1 s3, s23;
	v16 =	vsub.bf16 v17, v16;
	[sflag:s14] =	ssyncset.done $0x0  }
0xe2: {  	s26 =	simm.s32 @!p1 $0xEA60;
	s24 =	sadd.s32 @!p1 $0x3E8, s23;
	v3 =	vadd.f32 v7, v3;
	v14 =	vmul.bf16 v14, v14;
	v7 =	vadd.bf16 v12, v10;
	[sflag:s14] =	ssyncadd.s32 $0xFFFFF060  }
0xe3: {  	[tilespmem:s26], [sflag:$0x2] =	stream.linear.gather @!p1 [hbm4b:s24+s25], $0xFA0, $0x38;
	[tilespmem:$0x12B78] =	vst v63  }
0xe4: {  	s30 =	simm.s32 $0x109B0;
	s23 =	sadd.s32 @!p1 $0x5208, s23;
	v16 =	vmul.bf16 v16, v16;
	v7 =	vadd.bf16 v14, v7;
	s24 =	simm.s32 @!p1 $0xFA00  }
0xe5: {  	[tilespmem:s24], [sflag:$0x2] =	stream.linear.gather @!p1 [hbm4b:s23+s25], $0xFA0, $0x38;
	[tilespmem:$0x12B78] =	vst v63  }
0xe6: {  	s31 =	simm.s32 $0x11950;
	v7 =	vadd.bf16 v16, v7;
	v19 =	vld [tilespmem:s30+$0xFFFFFFF0]  }
0xe7: {  	v32 =	vld [tilespmem:s31+$0xFFFFFFF0]  }
0xe8: {  	v15 =	vld [tilespmem:s31+$0x0];
	v60 =	vunpack.i.u.bf16.f32 v7;
	v7 =	vunpack.i.l.bf16.f32 v7  }
0xe9: {  	v4 =	vmul.f32 v4, v5;
	v9 =	vmul.f32 v11, v9;
	v7 =	vadd.f32 v7, v60;
	_ =	sdelay $0x1  }
0xea: {  	v3 =	vadd.f32 v9, v3;
	v4 =	vmul.f32 v7, v4  }
0xeb: {  	s24 =	simm.s32 $0x11970;
	v20 =	vld [tilespmem:s30+$0x0];
	v13 =	vadd.s32 $0x2710, v19  }
0xec: {  	v18 =	vadd.s32 $0x2710, v32;
	v3 =	vadd.f32 v4, v3;
	v4 =	vld [tilespmem:s24+$0xFFFFFFF0]  }
0xed: {  	v21 =	vadd.s32 $0x4E20, v19;
	v12 =	vld.idx.msk [tilespmem:v19+s2+$0x0], $0xffff  }
0xee: {  	v17 =	vadd.s32 $0x4E20, v32;
	v22 =	vld.idx.msk [tilespmem:v32+s2+$0x0], $0xffff  }
0xef: {  	v23 =	vsub.bf16 v31, v28;
	v26 =	vsub.bf16 v29, v26;
	v59 =	vld.idx.msk [tilespmem:v15+s2+$0x0], $0xffff  }
0xf0: {  	v11 =	vsub.bf16 v27, v25;
	v10 =	vadd.s32 $0x7530, v19;
	v13 =	vld.idx.msk [tilespmem:v13+s2+$0x0], $0xffff  }
0xf1: {  	v56 =	vadd.s32 $0x7530, v32;
	v14 =	vld.idx.msk [tilespmem:v18+s2+$0x0], $0xffff;
	v18 =	vmul.bf16 v23, v23;
	v23 =	vmul.bf16 v26, v26  }
0xf2: {  	v24 =	vsub.bf16 v30, v24;
	v57 =	vadd.s32 $0x7530, v15;
	v21 =	vld.idx.msk [tilespmem:v21+s2+$0x0], $0xffff  }
0xf3: {  	v11 =	vmul.bf16 v11, v11;
	v58 =	vadd.s32 $0x4E20, v15;
	v17 =	vld.idx.msk [tilespmem:v17+s2+$0x0], $0xffff;
	v18 =	vadd.bf16 v23, v18  }
0xf4: {  	v61 =	vadd.s32 $0x2710, v20;
	v62 =	vld.idx.msk [tilespmem:v20+s9+$0x0], $0xffff  }
0xf5: {  	v16 =	vmul.bf16 v24, v24;
	v10 =	vld.idx.msk [tilespmem:v10+s2+$0x0], $0xffff;
	v11 =	vadd.bf16 v11, v18  }
0xf6: {  	v9 =	vld.idx.msk [tilespmem:v56+s2+$0x0], $0xffff;
	v23 =	vadd.s32 $0x2710, v15  }
0xf7: {  	v6 =	vmul.f32 v6, v8;
	v25 =	vld.idx.msk [tilespmem:v57+s2+$0x0], $0xffff;
	v12 =	vsub.bf16 v12, v22;
	v11 =	vadd.bf16 v16, v11  }
0xf8: {  	v26 =	vld.idx.msk [tilespmem:v58+s2+$0x0], $0xffff;
	v18 =	vadd.s32 $0x4E20, v20;
	v13 =	vsub.bf16 v13, v14;
	v17 =	vsub.bf16 v21, v17  }
0xf9: {  	v7 =	vld.idx.msk [tilespmem:v61+s2+$0x0], $0xffff;
	v16 =	vadd.s32 $0x7530, v20;
	v5 =	vunpack.i.u.bf16.f32 v11;
	v11 =	vunpack.i.l.bf16.f32 v11  }
0xfa: {  	v21 =	vld.idx.msk [tilespmem:v20+s2+$0x0], $0xffff;
	v12 =	vmul.bf16 v12, v12;
	v13 =	vmul.bf16 v13, v13;
	v5 =	vadd.f32 v11, v5  }
0xfb: {  	s23 =	simm.s32 $0x109D0;
	v9 =	vsub.bf16 v10, v9;
	v14 =	vld.idx.msk [tilespmem:v23+s2+$0x0], $0xffff  }
0xfc: {  	v8 =	vadd.bf16 v13, v12;
	v11 =	vmul.bf16 v17, v17;
	v6 =	vmul.f32 v5, v6;
	v5 =	vld [tilespmem:s23+$0xFFFFFFF0]  }
0xfd: {  	v18 =	vld.idx.msk [tilespmem:v18+s2+$0x0], $0xffff  }
0xfe: {  	v9 =	vmul.bf16 v9, v9;
	v10 =	vld.idx.msk [tilespmem:v16+s2+$0x0], $0xffff;
	v8 =	vadd.bf16 v11, v8  }
0xff: {  	v63 =	vld.idx.msk [tilespmem:v15+s9+$0x0], $0xffff;
	v3 =	vadd.f32 v6, v3;
	v6 =	vsub.bf16 v21, v59  }
0x100: {  	v12 =	vsub.bf16 v7, v14;
	v14 =	vadd.s32 $0x4E20, v4;
	v9 =	vadd.bf16 v9, v8;
	v8 =	vld.idx.msk [tilespmem:v19+s9+$0x0], $0xffff  }
0x101: {  	v19 =	vadd.s32 $0x2710, v4;
	v15 =	vmul.bf16 v6, v6;
	v6 =	vld [tilespmem:s24+$0x0];
	v17 =	vadd.s32 $0x2710, v5  }
0x102: {  	v7 =	vld [tilespmem:s23+$0x0];
	v13 =	vsub.bf16 v18, v26;
	v22 =	vmul.bf16 v12, v12;
	v16 =	vunpack.i.u.bf16.f32 v9  }
0x103: {  	v12 =	vld.idx.msk [tilespmem:v32+s9+$0x0], $0xffff;
	v11 =	vadd.s32 $0x7530, v5;
	v18 =	vsub.bf16 v10, v25;
	v21 =	vadd.s32 $0x4E20, v5  }
0x104: {  	v10 =	vadd.s32 $0x7530, v4;
	v20 =	vmul.bf16 v13, v13;
	v23 =	vadd.bf16 v22, v15;
	v15 =	vld.idx.msk [tilespmem:v4+s2+$0x0], $0xffff  }
0x105: {  	s25 =	simm.s32 $0x2;
	v22 =	vunpack.i.l.bf16.f32 v9;
	v9 =	vmul.f32 v63, v62;
	v18 =	vmul.bf16 v18, v18;
	v13 =	vld.idx.msk [tilespmem:v5+s2+$0x0], $0xffff  }
.LBB2_13:
0x106: {  	s25 =	sadd.s32 $0x2, s25;
	v17 =	vld.idx.msk [tilespmem:v17+s2+$0x0], $0xffff;
	v24 =	vadd.s32 $0x2710, v6;
	v25 =	vadd.s32 $0x4E20, v6;
	v20 =	vadd.bf16 v20, v23  }
0x107: {  	v26 =	vadd.s32 $0x7530, v6;
	p1 =	slt.u32 s25, $0xF8;
	v19 =	vld.idx.msk [tilespmem:v19+s2+$0x0], $0xffff;
	v23 =	vadd.s32 $0x2710, v7  }
0x108: {  	v16 =	vadd.f32 v22, v16;
	v21 =	vld.idx.msk [tilespmem:v21+s2+$0x0], $0xffff;
	v18 =	vadd.bf16 v18, v20  }
0x109: {  	v20 =	vadd.s32 $0x4E20, v7;
	v8 =	vmul.f32 v12, v8;
	v11 =	vld.idx.msk [tilespmem:v11+s2+$0x0], $0xffff  }
0x10a: {  	v12 =	vld.idx.msk [tilespmem:v14+s2+$0x0], $0xffff;
	v14 =	vadd.s32 $0x7530, v7;
	v22 =	vunpack.i.u.bf16.f32 v18;
	v18 =	vunpack.i.l.bf16.f32 v18  }
0x10b: {  	v13 =	vsub.bf16 v13, v15;
	v8 =	vmul.f32 v16, v8;
	v10 =	vld.idx.msk [tilespmem:v10+s2+$0x0], $0xffff;
	v15 =	vadd.f32 v18, v22  }
0x10c: {  	v16 =	vld.idx.msk [tilespmem:v6+s2+$0x0], $0xffff  }
0x10d: {  	v17 =	vsub.bf16 v17, v19;
	v2 =	vadd.f32 v8, v2;
	v18 =	vld.idx.msk [tilespmem:v26+s2+$0x0], $0xffff;
	v8 =	vmul.f32 v15, v9  }
0x10e: {  	v9 =	vld.idx.msk [tilespmem:v25+s2+$0x0], $0xffff  }
0x10f: {  	v13 =	vmul.bf16 v13, v13;
	v15 =	vmul.bf16 v17, v17;
	v17 =	vld.idx.msk [tilespmem:v24+s2+$0x0], $0xffff;
	v2 =	vadd.f32 v8, v2  }
0x110: {  	v8 =	vsub.bf16 v21, v12;
	v12 =	vld.idx.msk [tilespmem:v7+s2+$0x0], $0xffff  }
0x111: {  	v13 =	vadd.bf16 v15, v13;
	v15 =	vld.idx.msk [tilespmem:v20+s2+$0x0], $0xffff  }
0x112: {  	v8 =	vmul.bf16 v8, v8;
	v19 =	vld.idx.msk [tilespmem:v23+s2+$0x0], $0xffff  }
0x113: {  	s23 =	sadd.s32 $0x20, s23;
	v10 =	vsub.bf16 v11, v10;
	v14 =	vld.idx.msk [tilespmem:v14+s2+$0x0], $0xffff  }
0x114: {  	s24 =	sadd.s32 $0x20, s24;
	v22 =	vld [tilespmem:s23+$0xFFFFFFF0]  }
0x115: {  	v10 =	vmul.bf16 v10, v10;
	v8 =	vadd.bf16 v8, v13;
	v24 =	vld [tilespmem:s24+$0xFFFFFFF0]  }
0x116: {  	v25 =	vld.idx.msk [tilespmem:v7+s9+$0x0], $0xffff;
	v7 =	vsub.bf16 v12, v16  }
0x117: {  	v26 =	vadd.bf16 v10, v8;
	v9 =	vsub.bf16 v15, v9;
	v27 =	vld.idx.msk [tilespmem:v6+s9+$0x0], $0xffff  }
0x118: {  	v12 =	vsub.bf16 v19, v17;
	v8 =	vld.idx.msk [tilespmem:v5+s9+$0x0], $0xffff;
	v15 =	vmul.bf16 v7, v7  }
.Ltmp5:
0x119: {  	v18 =	vsub.bf16 v14, v18;
	v17 =	vadd.s32 $0x2710, v22;
	v11 =	vadd.s32 $0x7530, v22;
	v6 =	vld [tilespmem:s24+$0x0];
	v5 =	vmovc v22;
	(pc) =	sbr.rel @p1 .LBB2_13-.Ltmp5, $4  }
0x11a: {  	v23 =	vmul.bf16 v12, v12;
	v19 =	vadd.s32 $0x2710, v24;
	v10 =	vadd.s32 $0x7530, v24;
	v7 =	vld [tilespmem:s23+$0x0]  }
0x11b: {  	v20 =	vmul.bf16 v9, v9;
	v21 =	vadd.s32 $0x4E20, v5;
	v14 =	vadd.s32 $0x4E20, v24;
	v12 =	vld.idx.msk [tilespmem:v4+s9+$0x0], $0xffff;
	v4 =	vmovc v24  }
0x11c: {  	v16 =	vunpack.i.u.bf16.f32 v26;
	v18 =	vmul.bf16 v18, v18;
	v23 =	vadd.bf16 v23, v15;
	v13 =	vld.idx.msk [tilespmem:v22+s2+$0x0], $0xffff  }
0x11d: {  	v22 =	vunpack.i.l.bf16.f32 v26;
	v9 =	vmul.f32 v27, v25;
	v15 =	vld.idx.msk [tilespmem:v24+s2+$0x0], $0xffff  }
0x11e: {  	_ =	sdelay $0x3  }
0x11f: {  	v17 =	vld.idx.msk [tilespmem:v17+s2+$0x0], $0xffff  }
0x120: {  	v19 =	vld.idx.msk [tilespmem:v19+s2+$0x0], $0xffff  }
0x121: {  	v21 =	vld.idx.msk [tilespmem:v21+s2+$0x0], $0xffff  }
0x122: {  	v24 =	vadd.s32 $0x2710, v6;
	v11 =	vld.idx.msk [tilespmem:v11+s2+$0x0], $0xffff  }
0x123: {  	v14 =	vld.idx.msk [tilespmem:v14+s2+$0x0], $0xffff;
	v25 =	vadd.s32 $0x2710, v7  }
0x124: {  	v26 =	vadd.s32 $0x4E20, v6;
	v10 =	vld.idx.msk [tilespmem:v10+s2+$0x0], $0xffff  }
0x125: {  	v28 =	vld.idx.msk [tilespmem:v6+s2+$0x0], $0xffff;
	v27 =	vadd.s32 $0x4E20, v7  }
0x126: {  	v29 =	vadd.s32 $0x7530, v6;
	v31 =	vld.idx.msk [tilespmem:v7+s2+$0x0], $0xffff  }
0x127: {  	v30 =	vadd.s32 $0x7530, v7;
	v24 =	vld.idx.msk [tilespmem:v24+s2+$0x0], $0xffff  }
0x128: {  	v25 =	vld.idx.msk [tilespmem:v25+s2+$0x0], $0xffff  }
0x129: {  	v20 =	vadd.bf16 v20, v23;
	v47 =	vld.idx.msk [tilespmem:v26+s2+$0x0], $0xffff  }
0x12a: {  	v13 =	vsub.bf16 v13, v15;
	v48 =	vsub.bf16 v17, v19;
	v49 =	vld.idx.msk [tilespmem:v27+s2+$0x0], $0xffff  }
0x12b: {  	v18 =	vadd.bf16 v18, v20;
	v50 =	vld.idx.msk [tilespmem:v29+s2+$0x0], $0xffff  }
0x12c: {  	v14 =	vsub.bf16 v21, v14;
	v13 =	vmul.bf16 v13, v13;
	v51 =	vld.idx.msk [tilespmem:v30+s2+$0x0], $0xffff;
	v15 =	vmul.bf16 v48, v48  }
0x12d: {  	v52 =	vsub.bf16 v31, v28;
	v53 =	vsub.bf16 v25, v24  }
0x12e: {  	v5 =	vld.idx.msk [tilespmem:v5+s9+$0x0], $0xffff;
	v10 =	vsub.bf16 v11, v10;
	v14 =	vmul.bf16 v14, v14;
	v13 =	vadd.bf16 v15, v13  }
0x12f: {  	v4 =	vld.idx.msk [tilespmem:v4+s9+$0x0], $0xffff;
	v55 =	vmul.bf16 v52, v52;
	v54 =	vsub.bf16 v49, v47;
	v56 =	vmul.bf16 v53, v53  }
0x130: {  	v8 =	vmul.f32 v12, v8;
	v10 =	vmul.bf16 v10, v10;
	v13 =	vadd.bf16 v14, v13  }
0x131: {  	v60 =	vld.idx.msk [tilespmem:v6+s9+$0x0], $0xffff;
	v12 =	vsub.bf16 v51, v50;
	v11 =	vmul.bf16 v54, v54;
	v57 =	vadd.bf16 v56, v55  }
0x132: {  	v16 =	vadd.f32 v22, v16;
	v59 =	vld.idx.msk [tilespmem:v7+s9+$0x0], $0xffff;
	v20 =	vunpack.i.u.bf16.f32 v18;
	v18 =	vunpack.i.l.bf16.f32 v18  }
0x133: {  	v10 =	vadd.bf16 v10, v13;
	v12 =	vmul.bf16 v12, v12;
	v11 =	vadd.bf16 v11, v57  }
0x134: {  	v8 =	vmul.f32 v16, v8;
	v58 =	vadd.f32 v18, v20;
	v4 =	vmul.f32 v4, v5  }
0x135: {  	v62 =	vunpack.i.u.bf16.f32 v10;
	v10 =	vunpack.i.l.bf16.f32 v10;
	v11 =	vadd.bf16 v12, v11  }
0x136: {  	s22 =	sadd.s32 $0x1, s22;
	v2 =	vadd.f32 v8, v2;
	v61 =	vmul.f32 v58, v9;
	v9 =	vadd.f32 v10, v62  }
0x137: {  	p1 =	sne.s32 s22, $0x14;
	v6 =	vmul.f32 v60, v59;
	v5 =	vunpack.i.u.bf16.f32 v11;
	v63 =	vunpack.i.l.bf16.f32 v11  }
.Ltmp6:
0x138: {  	v2 =	vadd.f32 v61, v2;
	v4 =	vmul.f32 v9, v4;
	v5 =	vadd.f32 v63, v5;
	(pc) =	sbr.rel @p1 .LBB2_10-.Ltmp6, $3  }
0x139: {  	_ = 	snop  }
0x13a: {  	v2 =	vadd.f32 v4, v2;
	v4 =	vmul.f32 v5, v6;
	_ =	sdelay $0x1  }
0x13b: {  	v2 =	vadd.f32 v4, v2  }
0x13c: {  	_ = 	snop  }
0x13d: {  	s21 =	sadd.s32 $0x1, s21;
	v2 =	vadd.f32 v2, v3  }
0x13e: {  	p1 =	sne.s32 s21, s8  }
.Ltmp7:
0x13f: {  	[tilespmem:$0x128F0] =	vst v2;
	(pc) =	sbr.rel @p1 .LBB2_1-.Ltmp7, $4  }
0x140: {  	[hbm4b:s7+s2] =	stream.linear.scatter [tilespmem:s20], [sflag:$0x4], $0x10, $0x38;
	[tilespmem:$0x12B78] =	vst v63  }
0x141: {  	_ =	swait.ge [sflag:s10], $0x10  }
0x142: {  	[sflag:s10] =	ssyncset.done $0x0  }
0x143: {  	[sflag:s10] =	ssyncadd.s32 $0xFFFFFFF0  }
0x144: {  	_ =	sfence.sel $0x180000  }
0x145: {  	[bflag:$0x0] =	sbarrier.arrive $0xFFFF  }
0x146: {  	_ =	strace $0x90000047  }
0x147: {  	s0 =	sadd.s32 @!p0 $0x100000, s0;
	[bflag:$0x2] =	sbarrier.arrive $0xFFFF  }
0x148: {  	[sflag:s0] =	ssyncadd.tile.s32 @!p0 $0x1;
	_ =	shalt  }
.Lfunc_end2:
_tile_overlayer_lowered:
.L_overlay_start_2:
0x149: {  	(tag) =	ssettag $0x2  }
0x14a: {  	s0 =	rddreg [dreg:$0x0];
	s2 =	stileid.u32  }
0x14b: {  	s1 =	rddreg [dreg:$0x1];
	p0 =	sne.s32 s2, $0x0  }
0x14c: {  	s3 =	rddreg [dreg:$0x2];
	[bflag:$0x3] =	sbarrier.arrive $0xFFFF;
	s2 =	simm.s32 @!p0 $0x1C04  }
0x14d: {  	[timem:s3], [sflag:s2] =	dma.local @!p0 [hbm:s0], s1  }
0x14e: {  	s0 =	simm.s32 @!p0 $0x4  }
0x14f: {  	_ =	swait.ge @!p0 [sflag:s0], s1  }
0x150: {  	s1 =	ssub.s32 @!p0 $0x0, s1;
	[sflag:s0] =	ssyncset.done @!p0 $0x0  }
0x151: {  	[sflag:s0] =	ssyncadd.s32 @!p0 s1  }
0x152: {  	[bflag:$0x3] =	sbarrier.arrive $0xFFFF  }
0x153: {  	_ =	shalt  }

</sc_bundles>
